<compile_context>
chip_gen: v7x
topology: tpu7x:2x2x1
jax: 0.10.2.dev20260603
libtpu: 0.0.44.dev20260713+nightly
codegen_flags: <defaults>
</compile_context>

<pallas_src>
import jax
import jax.numpy as jnp
from jax import lax
from jax.experimental import pallas as pl
from jax.experimental.pallas import tpu as pltpu
from jax.experimental.pallas import tpu_sc as plsc

E = 16
H = 768
F = 2048
T = 64
NCH = 4
FC = F // NCH
NBUF = 6
NTILES = (E + 1) * NCH

NC = 2
NS = 16
TPW = T // (NC * NS)
NK = H // 16


def _sc_gating_body(x_hbm, gw_hbm, comb_hbm, gw_v, xrow_v, comb_v):
    wid = lax.axis_index("s") * NC + lax.axis_index("c")
    base = wid * TPW
    pltpu.sync_copy(gw_hbm, gw_v)
    pltpu.sync_copy(x_hbm.at[pl.ds(base, TPW)], xrow_v)
    iota = lax.iota(jnp.int32, 16)
    perms = [jnp.bitwise_xor(iota, k) for k in (8, 4, 2, 1)]

    def shuf(v, p):
        return v.at[p].get(mode="promise_in_bounds")

    def bred(v, op):
        for p in perms:
            v = op(v, shuf(v, p))
        return v

    def bf16_round(v):
        t = v * 65537.0
        return t - (t - v)

    for tt in range(TPW):
        def ebody(e, lvec):
            def kbody(k, acc):
                return acc + (bf16_round(xrow_v[tt, pl.ds(k * 16, 16)]) *
                              bf16_round(gw_v[e, pl.ds(k * 16, 16)]))
            acc = lax.fori_loop(0, NK, kbody, jnp.zeros((16,), jnp.float32))
            return jnp.where(iota == e, bred(acc, jnp.add), lvec)

        lvec = lax.fori_loop(0, E, ebody, jnp.zeros((16,), jnp.float32))
        m = bred(lvec, jnp.maximum)
        ex = jnp.exp(lvec - m)
        sc = ex / bred(ex, jnp.add)
        m1 = bred(sc, jnp.maximum)
        i1 = bred(jnp.where(sc == m1, iota, E), jnp.minimum)
        masked = jnp.where(iota == i1, -1e30, sc)
        m2 = bred(masked, jnp.maximum)
        i2 = bred(jnp.where(masked == m2, iota, E), jnp.minimum)
        denom = m1 + m2 + 1e-20
        comb_v[tt, :] = (jnp.where(iota == i1, m1 / denom, 0.0) +
                         jnp.where(iota == i2, m2 / denom, 0.0))

    pltpu.sync_copy(comb_v, comb_hbm.at[pl.ds(base, TPW)])


def _sc_gating(x2, gate_w):
    return pl.kernel(
        _sc_gating_body,
        out_type=jax.ShapeDtypeStruct((T, E), jnp.float32),
        mesh=plsc.VectorSubcoreMesh(core_axis_name="c", subcore_axis_name="s"),
        scratch_types=[
            pltpu.VMEM((E, H), jnp.float32),
            pltpu.VMEM((TPW, H), jnp.float32),
            pltpu.VMEM((TPW, E), jnp.float32),
        ],
    )(x2, gate_w)


def _ffn_kernel(x_ref, comb_ref, wg_hbm, wu_hbm, wd_hbm, swg_hbm, swu_hbm,
                swd_hbm, out_ref, wg_buf, wu_buf, wd_buf, sem):

    def issue(t, slot):
        e = t // NCH
        f0 = (t % NCH) * FC

        @pl.when(e < E)
        def _():
            pltpu.make_async_copy(
                wg_hbm.at[e, :, pl.ds(f0, FC)], wg_buf.at[slot],
                sem.at[0, slot]).start()
            pltpu.make_async_copy(
                wu_hbm.at[e, :, pl.ds(f0, FC)], wu_buf.at[slot],
                sem.at[1, slot]).start()
            pltpu.make_async_copy(
                wd_hbm.at[e, pl.ds(f0, FC), :], wd_buf.at[slot],
                sem.at[2, slot]).start()

        @pl.when(e == E)
        def _():
            pltpu.make_async_copy(
                swg_hbm.at[:, pl.ds(f0, FC)], wg_buf.at[slot],
                sem.at[0, slot]).start()
            pltpu.make_async_copy(
                swu_hbm.at[:, pl.ds(f0, FC)], wu_buf.at[slot],
                sem.at[1, slot]).start()
            pltpu.make_async_copy(
                swd_hbm.at[pl.ds(f0, FC), :], wd_buf.at[slot],
                sem.at[2, slot]).start()

    def wait_one(kind, hbm, buf, slot):
        pltpu.make_async_copy(
            hbm.at[0, :, pl.ds(0, FC)] if kind < 2
            else hbm.at[0, pl.ds(0, FC), :],
            buf.at[slot], sem.at[kind, slot]).wait()

    for t in range(NBUF - 1):
        issue(jnp.int32(t), jnp.int32(t))

    out_ref[...] = jnp.zeros_like(out_ref)

    def body(t, _):
        slot = jax.lax.rem(t, NBUF)
        nxt = t + NBUF - 1

        e = t // NCH
        x = x_ref[...].astype(jnp.bfloat16)
        wait_one(0, wg_hbm, wg_buf, slot)
        g = jnp.dot(x, wg_buf[slot].astype(jnp.bfloat16),
                    preferred_element_type=jnp.float32)
        wait_one(1, wu_hbm, wu_buf, slot)
        u = jnp.dot(x, wu_buf[slot].astype(jnp.bfloat16),
                    preferred_element_type=jnp.float32)
        act = g * jax.lax.logistic(g) * u
        wait_one(2, wd_hbm, wd_buf, slot)

        @pl.when(nxt < NTILES)
        def _():
            issue(nxt, jax.lax.rem(nxt, NBUF))

        o = jnp.dot(act.astype(jnp.bfloat16), wd_buf[slot].astype(jnp.bfloat16),
                    preferred_element_type=jnp.float32)
        lane = jax.lax.broadcasted_iota(jnp.int32, (T, E), 1)
        w_col = jnp.sum(jnp.where(lane == e, comb_ref[...], 0.0),
                        axis=-1, keepdims=True)
        w_col = w_col + jnp.where(e == E, 1.0, 0.0)
        out_ref[...] += w_col * o
        return 0

    jax.lax.fori_loop(0, NTILES, body, 0)


@jax.jit
def kernel(x, gate_w, Wg, Wu, Wd, SWg, SWu, SWd):
    b, s, h = x.shape
    x2 = x.reshape(-1, h)

    comb = _sc_gating(x2, gate_w)

    out = pl.pallas_call(
        _ffn_kernel,
        in_specs=[
            pl.BlockSpec(memory_space=pltpu.MemorySpace.VMEM),
            pl.BlockSpec(memory_space=pltpu.MemorySpace.VMEM),
            pl.BlockSpec(memory_space=pltpu.MemorySpace.HBM),
            pl.BlockSpec(memory_space=pltpu.MemorySpace.HBM),
            pl.BlockSpec(memory_space=pltpu.MemorySpace.HBM),
            pl.BlockSpec(memory_space=pltpu.MemorySpace.HBM),
            pl.BlockSpec(memory_space=pltpu.MemorySpace.HBM),
            pl.BlockSpec(memory_space=pltpu.MemorySpace.HBM),
        ],
        out_specs=pl.BlockSpec(memory_space=pltpu.MemorySpace.VMEM),
        out_shape=jax.ShapeDtypeStruct((T, H), jnp.float32),
        scratch_shapes=[
            pltpu.VMEM((NBUF, H, FC), jnp.float32),
            pltpu.VMEM((NBUF, H, FC), jnp.float32),
            pltpu.VMEM((NBUF, FC, H), jnp.float32),
            pltpu.SemaphoreType.DMA((3, NBUF)),
        ],
    )(x2, comb, Wg, Wu, Wd, SWg, SWu, SWd)

    return out.reshape(b, s, h)

# --- scband reference (transcript-rebuilt; emitter-appended) ---
"""Pipeline reference for scband-moefeed-forward-17214228922700 (READ-ONLY COPY).

The authoritative reference and input builder live on the scoring server;
editing this copy changes nothing except your own understanding.
"""

import jax, jax.numpy as jnp
import numpy as np

E = 16
TOP_K = 2
H = 768
F = 2048
B = 64
S = 1


def setup_inputs(seed: int = 0) -> dict:
    key = jax.random.key(seed)
    ks = jax.random.split(key, 9)
    x = jax.random.normal(ks[0], (B, S, H), dtype=jnp.float32)
    gate_w = jax.random.normal(ks[1], (E, H), dtype=jnp.float32) * 0.02
    Wg = jax.random.normal(ks[2], (E, H, F), dtype=jnp.float32) * 0.02
    Wu = jax.random.normal(ks[3], (E, H, F), dtype=jnp.float32) * 0.02
    Wd = jax.random.normal(ks[4], (E, F, H), dtype=jnp.float32) * 0.02
    SWg = jax.random.normal(ks[5], (H, F), dtype=jnp.float32) * 0.02
    SWu = jax.random.normal(ks[6], (H, F), dtype=jnp.float32) * 0.02
    SWd = jax.random.normal(ks[7], (F, H), dtype=jnp.float32) * 0.02
    return {"x": x, "gate_w": gate_w, "Wg": Wg, "Wu": Wu, "Wd": Wd, "SWg": SWg, "SWu": SWu, "SWd": SWd}


def reference(x, gate_w, Wg, Wu, Wd, SWg, SWu, SWd):
    b, s, h = x.shape
    x2 = x.reshape(-1, h)
    T = x2.shape[0]
    # ---- MoEGate ----
    logits = x2 @ gate_w.T                      # [T, E]
    scores = jax.nn.softmax(logits, axis=-1)
    topw, topi = jax.lax.top_k(scores, TOP_K)   # [T, K]
    # norm_topk_prob (top_k > 1)
    topw = topw / (topw.sum(axis=-1, keepdims=True) + 1e-20)
    # scatter top-k weights into dense per-expert combine matrix [T, E]
    comb = jnp.zeros((T, E), dtype=x2.dtype).at[jnp.arange(T)[:, None], topi].add(topw)
    # ---- routed experts: SwiGLU FFN per expert, combined by routing weights ----
    g = jnp.einsum('th,ehf->etf', x2, Wg)
    u = jnp.einsum('th,ehf->etf', x2, Wu)
    act = jax.nn.silu(g) * u
    out = jnp.einsum('etf,efh->eth', act, Wd)   # [E, T, H]
    y = jnp.einsum('te,eth->th', comb, out)     # weighted combine == scatter_add path
    # ---- shared expert ----
    sh = (jax.nn.silu(x2 @ SWg) * (x2 @ SWu)) @ SWd
    y = y + sh
    return y.reshape(b, s, h)

if __name__ == "__main__":
    import jax
    _d = setup_inputs()
    print(jax.jit(kernel)(*tuple(_d.values())))

</pallas_src>

<mosaic_0001>
#map = affine_map<(d0, d1) -> (0, 0)>
module attributes {stable_mosaic.version = 14 : i64} {
  func.func @_sc_gating_body(%arg0: i32, %arg1: i32, %arg2: memref<64x768xf32, #tpu.memory_space<hbm>>, %arg3: memref<16x768xf32, #tpu.memory_space<hbm>>, %arg4: memref<64x16xf32, #tpu.memory_space<hbm>>, %arg5: memref<16x768xf32, #tpu.memory_space<vmem>>, %arg6: memref<2x768xf32, #tpu.memory_space<vmem>>, %arg7: memref<2x16xf32, #tpu.memory_space<vmem>>) attributes {dimension_semantics = [#tpu.dimension_semantics<core_parallel>, #tpu.dimension_semantics<subcore_parallel>], iteration_bounds = array<i64: 2, 16>, scalar_prefetch = 0 : i64, scratch_operands = 3 : i64, tpu.core_type = #tpu.core_type<sc_vector_subcore>, window_params = [{transform_indices = #map}, {transform_indices = #map}, {transform_indices = #map}]} {
    %mul3A = arith.constant 2 : i32
    %mul3A_0 = arith.muli %arg1, %mul3A : i32
    %add3A = arith.addi %mul3A_0, %arg0 : i32
    %mul3A_1 = arith.constant 2 : i32
    %mul3A_2 = arith.muli %add3A, %mul3A_1 : i32
    "tpu.region"() ({
      %run_scoped3A = tpu.sem_alloc : memref<!tpu.dma_semaphore, #tpu.memory_space<semaphore_mem>>
      tpu.enqueue_dma source(%arg3 : memref<16x768xf32, #tpu.memory_space<hbm>>) target(%arg5 : memref<16x768xf32, #tpu.memory_space<vmem>>) target_semaphore(%run_scoped3A : memref<!tpu.dma_semaphore, #tpu.memory_space<semaphore_mem>>)
      tpu.wait_dma2 semaphore(%run_scoped3A : memref<!tpu.dma_semaphore, #tpu.memory_space<semaphore_mem>>) src(%arg3 : memref<16x768xf32, #tpu.memory_space<hbm>>) dst(%arg5 : memref<16x768xf32, #tpu.memory_space<vmem>>)
      tpu.yield
    }) : () -> ()
    "tpu.region"() ({
      %run_scoped3A = tpu.sem_alloc : memref<!tpu.dma_semaphore, #tpu.memory_space<semaphore_mem>>
      %dma_start3A = arith.constant 0 : i32
      %dma_start3A_617 = tpu.memref_slice %arg2[%mul3A_2, %dma_start3A] : memref<64x768xf32, #tpu.memory_space<hbm>> -> memref<2x768xf32, #tpu.memory_space<hbm>>
      %dma_start3A_618 = arith.constant 0 : i32
      %dma_start3A_619 = tpu.memref_slice %arg2[%mul3A_2, %dma_start3A_618] : memref<64x768xf32, #tpu.memory_space<hbm>> -> memref<2x768xf32, #tpu.memory_space<hbm>>
      tpu.enqueue_dma source(%dma_start3A_619 : memref<2x768xf32, #tpu.memory_space<hbm>>) target(%arg6 : memref<2x768xf32, #tpu.memory_space<vmem>>) target_semaphore(%run_scoped3A : memref<!tpu.dma_semaphore, #tpu.memory_space<semaphore_mem>>)
      %dma_wait3A = arith.constant 0 : i32
      %dma_wait3A_620 = tpu.memref_slice %arg2[%mul3A_2, %dma_wait3A] : memref<64x768xf32, #tpu.memory_space<hbm>> -> memref<2x768xf32, #tpu.memory_space<hbm>>
      %dma_wait3A_621 = arith.constant 0 : i32
      %dma_wait3A_622 = tpu.memref_slice %arg2[%mul3A_2, %dma_wait3A_621] : memref<64x768xf32, #tpu.memory_space<hbm>> -> memref<2x768xf32, #tpu.memory_space<hbm>>
      tpu.wait_dma2 semaphore(%run_scoped3A : memref<!tpu.dma_semaphore, #tpu.memory_space<semaphore_mem>>) src(%dma_wait3A_622 : memref<2x768xf32, #tpu.memory_space<hbm>>) dst(%arg6 : memref<2x768xf32, #tpu.memory_space<vmem>>)
      tpu.yield
    }) : () -> ()
    %iota3A = tpu.iota {dimensions = array<i32: 0>} : vector<16xi32>
    %xor3A = arith.constant 8 : i32
    %xor3A_3 = vector.broadcast %xor3A : i32 to vector<16xi32>
    %xor3A_4 = arith.xori %iota3A, %xor3A_3 : vector<16xi32>
    %xor3A_5 = arith.constant 4 : i32
    %xor3A_6 = vector.broadcast %xor3A_5 : i32 to vector<16xi32>
    %xor3A_7 = arith.xori %iota3A, %xor3A_6 : vector<16xi32>
    %xor3A_8 = arith.constant 2 : i32
    %xor3A_9 = vector.broadcast %xor3A_8 : i32 to vector<16xi32>
    %xor3A_10 = arith.xori %iota3A, %xor3A_9 : vector<16xi32>
    %xor3A_11 = arith.constant 1 : i32
    %xor3A_12 = vector.broadcast %xor3A_11 : i32 to vector<16xi32>
    %xor3A_13 = arith.xori %iota3A, %xor3A_12 : vector<16xi32>
    %broadcast_in_dim3A = arith.constant 0.000000e+00 : f32
    %broadcast_in_dim3A_14 = vector.broadcast %broadcast_in_dim3A : f32 to vector<16xf32>
    %scan3A = arith.constant 0 : i32
    %scan3A_15 = arith.constant 16 : i32
    %scan3A_16 = arith.addi %scan3A, %scan3A_15 : i32
    %scan3A_17 = arith.constant 1 : i32
    %scan3A_18 = scf.for %scan3A_617 = %scan3A to %scan3A_16 step %scan3A_17 iter_args(%scan3A_618 = %broadcast_in_dim3A_14) -> (vector<16xf32>)  : i32 {
      %broadcast_in_dim3A_619 = arith.constant 0.000000e+00 : f32
      %broadcast_in_dim3A_620 = vector.broadcast %broadcast_in_dim3A_619 : f32 to vector<16xf32>
      %scan3A_621 = arith.constant 0 : i32
      %scan3A_622 = arith.constant 48 : i32
      %scan3A_623 = arith.addi %scan3A_621, %scan3A_622 : i32
      %scan3A_624 = arith.constant 1 : i32
      %scan3A_625 = scf.for %scan3A_674 = %scan3A_621 to %scan3A_623 step %scan3A_624 iter_args(%scan3A_675 = %broadcast_in_dim3A_620) -> (vector<16xf32>)  : i32 {
        %mul3A_676 = arith.constant 16 : i32
        %mul3A_677 = arith.muli %scan3A_674, %mul3A_676 : i32
        %get3A = arith.constant 0 : i32
        %get3A_678 = arith.index_cast %get3A : i32 to index
        %get3A_679 = arith.index_cast %mul3A_677 : i32 to index
        %get3A_680 = tpu.vector_load %arg6[%get3A_678, %get3A_679] {strides = array<i32>} : memref<2x768xf32, #tpu.memory_space<vmem>>, vector<1x16xf32>,
        %get3A_681 = vector.shape_cast %get3A_680 : vector<1x16xf32> to vector<16xf32>
        %mul3A_682 = arith.constant 6.553700e+04 : f32
        %mul3A_683 = vector.broadcast %mul3A_682 : f32 to vector<16xf32>
        %mul3A_684 = arith.mulf %get3A_681, %mul3A_683 : vector<16xf32>
        %sub3A_685 = arith.subf %mul3A_684, %get3A_681 : vector<16xf32>
        %sub3A_686 = arith.subf %mul3A_684, %sub3A_685 : vector<16xf32>
        %mul3A_687 = arith.constant 16 : i32
        %mul3A_688 = arith.muli %scan3A_674, %mul3A_687 : i32
        %get3A_689 = arith.index_cast %scan3A_617 : i32 to index
        %get3A_690 = arith.index_cast %mul3A_688 : i32 to index
        %get3A_691 = tpu.vector_load %arg5[%get3A_689, %get3A_690] {strides = array<i32>} : memref<16x768xf32, #tpu.memory_space<vmem>>, vector<1x16xf32>,
        %get3A_692 = vector.shape_cast %get3A_691 : vector<1x16xf32> to vector<16xf32>
        %mul3A_693 = arith.constant 6.553700e+04 : f32
        %mul3A_694 = vector.broadcast %mul3A_693 : f32 to vector<16xf32>
        %mul3A_695 = arith.mulf %get3A_692, %mul3A_694 : vector<16xf32>
        %sub3A_696 = arith.subf %mul3A_695, %get3A_692 : vector<16xf32>
        %sub3A_697 = arith.subf %mul3A_695, %sub3A_696 : vector<16xf32>
        %mul3A_698 = arith.mulf %sub3A_686, %sub3A_697 : vector<16xf32>
        %add3A_699 = arith.addf %scan3A_675, %mul3A_698 : vector<16xf32>
        scf.yield %add3A_699 : vector<16xf32>
      }
      %scan3A_626 = arith.constant 48 : i32
      %eq3A_627 = vector.broadcast %scan3A_617 : i32 to vector<16xi32>
      %eq3A_628 = arith.cmpi eq, %iota3A, %eq3A_627 : vector<16xi32>
      %lt3A_629 = arith.constant 0 : i32
      %lt3A_630 = vector.broadcast %lt3A_629 : i32 to vector<16xi32>
      %lt3A_631 = arith.cmpi slt, %xor3A_4, %lt3A_630 : vector<16xi32>
      %add3A_632 = arith.constant 16 : i32
      %add3A_633 = vector.broadcast %add3A_632 : i32 to vector<16xi32>
      %add3A_634 = arith.addi %xor3A_4, %add3A_633 : vector<16xi32>
      %select_n3A_635 = arith.select %lt3A_631, %add3A_634, %xor3A_4 : vector<16xi1>, vector<16xi32>
      %broadcast_in_dim3A_636 = vector.shape_cast %select_n3A_635 : vector<16xi32> to vector<16x1xi32>
      %gather3A_637 = vector.shape_cast %broadcast_in_dim3A_636 : vector<16x1xi32> to vector<16xi32>
      %gather3A_638 = tpu.dynamic_gather %scan3A_625[%gather3A_637] in [0] : vector<16xf32>, vector<16xi32> -> vector<16xf32>
      %add3A_639 = arith.addf %scan3A_625, %gather3A_638 : vector<16xf32>
      %lt3A_640 = arith.constant 0 : i32
      %lt3A_641 = vector.broadcast %lt3A_640 : i32 to vector<16xi32>
      %lt3A_642 = arith.cmpi slt, %xor3A_7, %lt3A_641 : vector<16xi32>
      %add3A_643 = arith.constant 16 : i32
      %add3A_644 = vector.broadcast %add3A_643 : i32 to vector<16xi32>
      %add3A_645 = arith.addi %xor3A_7, %add3A_644 : vector<16xi32>
      %select_n3A_646 = arith.select %lt3A_642, %add3A_645, %xor3A_7 : vector<16xi1>, vector<16xi32>
      %broadcast_in_dim3A_647 = vector.shape_cast %select_n3A_646 : vector<16xi32> to vector<16x1xi32>
      %gather3A_648 = vector.shape_cast %broadcast_in_dim3A_647 : vector<16x1xi32> to vector<16xi32>
      %gather3A_649 = tpu.dynamic_gather %add3A_639[%gather3A_648] in [0] : vector<16xf32>, vector<16xi32> -> vector<16xf32>
      %add3A_650 = arith.addf %add3A_639, %gather3A_649 : vector<16xf32>
      %lt3A_651 = arith.constant 0 : i32
      %lt3A_652 = vector.broadcast %lt3A_651 : i32 to vector<16xi32>
      %lt3A_653 = arith.cmpi slt, %xor3A_10, %lt3A_652 : vector<16xi32>
      %add3A_654 = arith.constant 16 : i32
      %add3A_655 = vector.broadcast %add3A_654 : i32 to vector<16xi32>
      %add3A_656 = arith.addi %xor3A_10, %add3A_655 : vector<16xi32>
      %select_n3A_657 = arith.select %lt3A_653, %add3A_656, %xor3A_10 : vector<16xi1>, vector<16xi32>
      %broadcast_in_dim3A_658 = vector.shape_cast %select_n3A_657 : vector<16xi32> to vector<16x1xi32>
      %gather3A_659 = vector.shape_cast %broadcast_in_dim3A_658 : vector<16x1xi32> to vector<16xi32>
      %gather3A_660 = tpu.dynamic_gather %add3A_650[%gather3A_659] in [0] : vector<16xf32>, vector<16xi32> -> vector<16xf32>
      %add3A_661 = arith.addf %add3A_650, %gather3A_660 : vector<16xf32>
      %lt3A_662 = arith.constant 0 : i32
      %lt3A_663 = vector.broadcast %lt3A_662 : i32 to vector<16xi32>
      %lt3A_664 = arith.cmpi slt, %xor3A_13, %lt3A_663 : vector<16xi32>
      %add3A_665 = arith.constant 16 : i32
      %add3A_666 = vector.broadcast %add3A_665 : i32 to vector<16xi32>
      %add3A_667 = arith.addi %xor3A_13, %add3A_666 : vector<16xi32>
      %select_n3A_668 = arith.select %lt3A_664, %add3A_667, %xor3A_13 : vector<16xi1>, vector<16xi32>
      %broadcast_in_dim3A_669 = vector.shape_cast %select_n3A_668 : vector<16xi32> to vector<16x1xi32>
      %gather3A_670 = vector.shape_cast %broadcast_in_dim3A_669 : vector<16x1xi32> to vector<16xi32>
      %gather3A_671 = tpu.dynamic_gather %add3A_661[%gather3A_670] in [0] : vector<16xf32>, vector<16xi32> -> vector<16xf32>
      %add3A_672 = arith.addf %add3A_661, %gather3A_671 : vector<16xf32>
      %select_n3A_673 = arith.select %eq3A_628, %add3A_672, %scan3A_618 : vector<16xi1>, vector<16xf32>
      scf.yield %select_n3A_673 : vector<16xf32>
    }
    %scan3A_19 = arith.constant 16 : i32
    %lt3A = arith.constant 0 : i32
    %lt3A_20 = vector.broadcast %lt3A : i32 to vector<16xi32>
    %lt3A_21 = arith.cmpi slt, %xor3A_4, %lt3A_20 : vector<16xi32>
    %add3A_22 = arith.constant 16 : i32
    %add3A_23 = vector.broadcast %add3A_22 : i32 to vector<16xi32>
    %add3A_24 = arith.addi %xor3A_4, %add3A_23 : vector<16xi32>
    %select_n3A = arith.select %lt3A_21, %add3A_24, %xor3A_4 : vector<16xi1>, vector<16xi32>
    %broadcast_in_dim3A_25 = vector.shape_cast %select_n3A : vector<16xi32> to vector<16x1xi32>
    %gather3A = vector.shape_cast %broadcast_in_dim3A_25 : vector<16x1xi32> to vector<16xi32>
    %gather3A_26 = tpu.dynamic_gather %scan3A_18[%gather3A] in [0] : vector<16xf32>, vector<16xi32> -> vector<16xf32>
    %max3A = arith.maximumf %scan3A_18, %gather3A_26 : vector<16xf32>
    %lt3A_27 = arith.constant 0 : i32
    %lt3A_28 = vector.broadcast %lt3A_27 : i32 to vector<16xi32>
    %lt3A_29 = arith.cmpi slt, %xor3A_7, %lt3A_28 : vector<16xi32>
    %add3A_30 = arith.constant 16 : i32
    %add3A_31 = vector.broadcast %add3A_30 : i32 to vector<16xi32>
    %add3A_32 = arith.addi %xor3A_7, %add3A_31 : vector<16xi32>
    %select_n3A_33 = arith.select %lt3A_29, %add3A_32, %xor3A_7 : vector<16xi1>, vector<16xi32>
    %broadcast_in_dim3A_34 = vector.shape_cast %select_n3A_33 : vector<16xi32> to vector<16x1xi32>
    %gather3A_35 = vector.shape_cast %broadcast_in_dim3A_34 : vector<16x1xi32> to vector<16xi32>
    %gather3A_36 = tpu.dynamic_gather %max3A[%gather3A_35] in [0] : vector<16xf32>, vector<16xi32> -> vector<16xf32>
    %max3A_37 = arith.maximumf %max3A, %gather3A_36 : vector<16xf32>
    %lt3A_38 = arith.constant 0 : i32
    %lt3A_39 = vector.broadcast %lt3A_38 : i32 to vector<16xi32>
    %lt3A_40 = arith.cmpi slt, %xor3A_10, %lt3A_39 : vector<16xi32>
    %add3A_41 = arith.constant 16 : i32
    %add3A_42 = vector.broadcast %add3A_41 : i32 to vector<16xi32>
    %add3A_43 = arith.addi %xor3A_10, %add3A_42 : vector<16xi32>
    %select_n3A_44 = arith.select %lt3A_40, %add3A_43, %xor3A_10 : vector<16xi1>, vector<16xi32>
    %broadcast_in_dim3A_45 = vector.shape_cast %select_n3A_44 : vector<16xi32> to vector<16x1xi32>
    %gather3A_46 = vector.shape_cast %broadcast_in_dim3A_45 : vector<16x1xi32> to vector<16xi32>
    %gather3A_47 = tpu.dynamic_gather %max3A_37[%gather3A_46] in [0] : vector<16xf32>, vector<16xi32> -> vector<16xf32>
    %max3A_48 = arith.maximumf %max3A_37, %gather3A_47 : vector<16xf32>
    %lt3A_49 = arith.constant 0 : i32
    %lt3A_50 = vector.broadcast %lt3A_49 : i32 to vector<16xi32>
    %lt3A_51 = arith.cmpi slt, %xor3A_13, %lt3A_50 : vector<16xi32>
    %add3A_52 = arith.constant 16 : i32
    %add3A_53 = vector.broadcast %add3A_52 : i32 to vector<16xi32>
    %add3A_54 = arith.addi %xor3A_13, %add3A_53 : vector<16xi32>
    %select_n3A_55 = arith.select %lt3A_51, %add3A_54, %xor3A_13 : vector<16xi1>, vector<16xi32>
    %broadcast_in_dim3A_56 = vector.shape_cast %select_n3A_55 : vector<16xi32> to vector<16x1xi32>
    %gather3A_57 = vector.shape_cast %broadcast_in_dim3A_56 : vector<16x1xi32> to vector<16xi32>
    %gather3A_58 = tpu.dynamic_gather %max3A_48[%gather3A_57] in [0] : vector<16xf32>, vector<16xi32> -> vector<16xf32>
    %max3A_59 = arith.maximumf %max3A_48, %gather3A_58 : vector<16xf32>
    %sub3A = arith.subf %scan3A_18, %max3A_59 : vector<16xf32>
    %exp3A = math.exp %sub3A : vector<16xf32>
    %lt3A_60 = arith.constant 0 : i32
    %lt3A_61 = vector.broadcast %lt3A_60 : i32 to vector<16xi32>
    %lt3A_62 = arith.cmpi slt, %xor3A_4, %lt3A_61 : vector<16xi32>
    %add3A_63 = arith.constant 16 : i32
    %add3A_64 = vector.broadcast %add3A_63 : i32 to vector<16xi32>
    %add3A_65 = arith.addi %xor3A_4, %add3A_64 : vector<16xi32>
    %select_n3A_66 = arith.select %lt3A_62, %add3A_65, %xor3A_4 : vector<16xi1>, vector<16xi32>
    %broadcast_in_dim3A_67 = vector.shape_cast %select_n3A_66 : vector<16xi32> to vector<16x1xi32>
    %gather3A_68 = vector.shape_cast %broadcast_in_dim3A_67 : vector<16x1xi32> to vector<16xi32>
    %gather3A_69 = tpu.dynamic_gather %exp3A[%gather3A_68] in [0] : vector<16xf32>, vector<16xi32> -> vector<16xf32>
    %add3A_70 = arith.addf %exp3A, %gather3A_69 : vector<16xf32>
    %lt3A_71 = arith.constant 0 : i32
    %lt3A_72 = vector.broadcast %lt3A_71 : i32 to vector<16xi32>
    %lt3A_73 = arith.cmpi slt, %xor3A_7, %lt3A_72 : vector<16xi32>
    %add3A_74 = arith.constant 16 : i32
    %add3A_75 = vector.broadcast %add3A_74 : i32 to vector<16xi32>
    %add3A_76 = arith.addi %xor3A_7, %add3A_75 : vector<16xi32>
    %select_n3A_77 = arith.select %lt3A_73, %add3A_76, %xor3A_7 : vector<16xi1>, vector<16xi32>
    %broadcast_in_dim3A_78 = vector.shape_cast %select_n3A_77 : vector<16xi32> to vector<16x1xi32>
    %gather3A_79 = vector.shape_cast %broadcast_in_dim3A_78 : vector<16x1xi32> to vector<16xi32>
    %gather3A_80 = tpu.dynamic_gather %add3A_70[%gather3A_79] in [0] : vector<16xf32>, vector<16xi32> -> vector<16xf32>
    %add3A_81 = arith.addf %add3A_70, %gather3A_80 : vector<16xf32>
    %lt3A_82 = arith.constant 0 : i32
    %lt3A_83 = vector.broadcast %lt3A_82 : i32 to vector<16xi32>
    %lt3A_84 = arith.cmpi slt, %xor3A_10, %lt3A_83 : vector<16xi32>
    %add3A_85 = arith.constant 16 : i32
    %add3A_86 = vector.broadcast %add3A_85 : i32 to vector<16xi32>
    %add3A_87 = arith.addi %xor3A_10, %add3A_86 : vector<16xi32>
    %select_n3A_88 = arith.select %lt3A_84, %add3A_87, %xor3A_10 : vector<16xi1>, vector<16xi32>
    %broadcast_in_dim3A_89 = vector.shape_cast %select_n3A_88 : vector<16xi32> to vector<16x1xi32>
    %gather3A_90 = vector.shape_cast %broadcast_in_dim3A_89 : vector<16x1xi32> to vector<16xi32>
    %gather3A_91 = tpu.dynamic_gather %add3A_81[%gather3A_90] in [0] : vector<16xf32>, vector<16xi32> -> vector<16xf32>
    %add3A_92 = arith.addf %add3A_81, %gather3A_91 : vector<16xf32>
    %lt3A_93 = arith.constant 0 : i32
    %lt3A_94 = vector.broadcast %lt3A_93 : i32 to vector<16xi32>
    %lt3A_95 = arith.cmpi slt, %xor3A_13, %lt3A_94 : vector<16xi32>
    %add3A_96 = arith.constant 16 : i32
    %add3A_97 = vector.broadcast %add3A_96 : i32 to vector<16xi32>
    %add3A_98 = arith.addi %xor3A_13, %add3A_97 : vector<16xi32>
    %select_n3A_99 = arith.select %lt3A_95, %add3A_98, %xor3A_13 : vector<16xi1>, vector<16xi32>
    %broadcast_in_dim3A_100 = vector.shape_cast %select_n3A_99 : vector<16xi32> to vector<16x1xi32>
    %gather3A_101 = vector.shape_cast %broadcast_in_dim3A_100 : vector<16x1xi32> to vector<16xi32>
    %gather3A_102 = tpu.dynamic_gather %add3A_92[%gather3A_101] in [0] : vector<16xf32>, vector<16xi32> -> vector<16xf32>
    %add3A_103 = arith.addf %add3A_92, %gather3A_102 : vector<16xf32>
    %div3A = arith.divf %exp3A, %add3A_103 : vector<16xf32>
    %lt3A_104 = arith.constant 0 : i32
    %lt3A_105 = vector.broadcast %lt3A_104 : i32 to vector<16xi32>
    %lt3A_106 = arith.cmpi slt, %xor3A_4, %lt3A_105 : vector<16xi32>
    %add3A_107 = arith.constant 16 : i32
    %add3A_108 = vector.broadcast %add3A_107 : i32 to vector<16xi32>
    %add3A_109 = arith.addi %xor3A_4, %add3A_108 : vector<16xi32>
    %select_n3A_110 = arith.select %lt3A_106, %add3A_109, %xor3A_4 : vector<16xi1>, vector<16xi32>
    %broadcast_in_dim3A_111 = vector.shape_cast %select_n3A_110 : vector<16xi32> to vector<16x1xi32>
    %gather3A_112 = vector.shape_cast %broadcast_in_dim3A_111 : vector<16x1xi32> to vector<16xi32>
    %gather3A_113 = tpu.dynamic_gather %div3A[%gather3A_112] in [0] : vector<16xf32>, vector<16xi32> -> vector<16xf32>
    %max3A_114 = arith.maximumf %div3A, %gather3A_113 : vector<16xf32>
    %lt3A_115 = arith.constant 0 : i32
    %lt3A_116 = vector.broadcast %lt3A_115 : i32 to vector<16xi32>
    %lt3A_117 = arith.cmpi slt, %xor3A_7, %lt3A_116 : vector<16xi32>
    %add3A_118 = arith.constant 16 : i32
    %add3A_119 = vector.broadcast %add3A_118 : i32 to vector<16xi32>
    %add3A_120 = arith.addi %xor3A_7, %add3A_119 : vector<16xi32>
    %select_n3A_121 = arith.select %lt3A_117, %add3A_120, %xor3A_7 : vector<16xi1>, vector<16xi32>
    %broadcast_in_dim3A_122 = vector.shape_cast %select_n3A_121 : vector<16xi32> to vector<16x1xi32>
    %gather3A_123 = vector.shape_cast %broadcast_in_dim3A_122 : vector<16x1xi32> to vector<16xi32>
    %gather3A_124 = tpu.dynamic_gather %max3A_114[%gather3A_123] in [0] : vector<16xf32>, vector<16xi32> -> vector<16xf32>
    %max3A_125 = arith.maximumf %max3A_114, %gather3A_124 : vector<16xf32>
    %lt3A_126 = arith.constant 0 : i32
    %lt3A_127 = vector.broadcast %lt3A_126 : i32 to vector<16xi32>
    %lt3A_128 = arith.cmpi slt, %xor3A_10, %lt3A_127 : vector<16xi32>
    %add3A_129 = arith.constant 16 : i32
    %add3A_130 = vector.broadcast %add3A_129 : i32 to vector<16xi32>
    %add3A_131 = arith.addi %xor3A_10, %add3A_130 : vector<16xi32>
    %select_n3A_132 = arith.select %lt3A_128, %add3A_131, %xor3A_10 : vector<16xi1>, vector<16xi32>
    %broadcast_in_dim3A_133 = vector.shape_cast %select_n3A_132 : vector<16xi32> to vector<16x1xi32>
    %gather3A_134 = vector.shape_cast %broadcast_in_dim3A_133 : vector<16x1xi32> to vector<16xi32>
    %gather3A_135 = tpu.dynamic_gather %max3A_125[%gather3A_134] in [0] : vector<16xf32>, vector<16xi32> -> vector<16xf32>
    %max3A_136 = arith.maximumf %max3A_125, %gather3A_135 : vector<16xf32>
    %lt3A_137 = arith.constant 0 : i32
    %lt3A_138 = vector.broadcast %lt3A_137 : i32 to vector<16xi32>
    %lt3A_139 = arith.cmpi slt, %xor3A_13, %lt3A_138 : vector<16xi32>
    %add3A_140 = arith.constant 16 : i32
    %add3A_141 = vector.broadcast %add3A_140 : i32 to vector<16xi32>
    %add3A_142 = arith.addi %xor3A_13, %add3A_141 : vector<16xi32>
    %select_n3A_143 = arith.select %lt3A_139, %add3A_142, %xor3A_13 : vector<16xi1>, vector<16xi32>
    %broadcast_in_dim3A_144 = vector.shape_cast %select_n3A_143 : vector<16xi32> to vector<16x1xi32>
    %gather3A_145 = vector.shape_cast %broadcast_in_dim3A_144 : vector<16x1xi32> to vector<16xi32>
    %gather3A_146 = tpu.dynamic_gather %max3A_136[%gather3A_145] in [0] : vector<16xf32>, vector<16xi32> -> vector<16xf32>
    %max3A_147 = arith.maximumf %max3A_136, %gather3A_146 : vector<16xf32>
    %eq3A = arith.cmpf oeq, %div3A, %max3A_147 : vector<16xf32>
    %jit3A = arith.constant 16 : i32
    %broadcast_in_dim3A_148 = vector.broadcast %jit3A : i32 to vector<16xi32>
    %select_n3A_149 = arith.select %eq3A, %iota3A, %broadcast_in_dim3A_148 : vector<16xi1>, vector<16xi32>
    %lt3A_150 = arith.constant 0 : i32
    %lt3A_151 = vector.broadcast %lt3A_150 : i32 to vector<16xi32>
    %lt3A_152 = arith.cmpi slt, %xor3A_4, %lt3A_151 : vector<16xi32>
    %add3A_153 = arith.constant 16 : i32
    %add3A_154 = vector.broadcast %add3A_153 : i32 to vector<16xi32>
    %add3A_155 = arith.addi %xor3A_4, %add3A_154 : vector<16xi32>
    %select_n3A_156 = arith.select %lt3A_152, %add3A_155, %xor3A_4 : vector<16xi1>, vector<16xi32>
    %broadcast_in_dim3A_157 = vector.shape_cast %select_n3A_156 : vector<16xi32> to vector<16x1xi32>
    %gather3A_158 = vector.shape_cast %broadcast_in_dim3A_157 : vector<16x1xi32> to vector<16xi32>
    %gather3A_159 = tpu.dynamic_gather %select_n3A_149[%gather3A_158] in [0] : vector<16xi32>, vector<16xi32> -> vector<16xi32>
    %min3A = arith.minsi %select_n3A_149, %gather3A_159 : vector<16xi32>
    %lt3A_160 = arith.constant 0 : i32
    %lt3A_161 = vector.broadcast %lt3A_160 : i32 to vector<16xi32>
    %lt3A_162 = arith.cmpi slt, %xor3A_7, %lt3A_161 : vector<16xi32>
    %add3A_163 = arith.constant 16 : i32
    %add3A_164 = vector.broadcast %add3A_163 : i32 to vector<16xi32>
    %add3A_165 = arith.addi %xor3A_7, %add3A_164 : vector<16xi32>
    %select_n3A_166 = arith.select %lt3A_162, %add3A_165, %xor3A_7 : vector<16xi1>, vector<16xi32>
    %broadcast_in_dim3A_167 = vector.shape_cast %select_n3A_166 : vector<16xi32> to vector<16x1xi32>
    %gather3A_168 = vector.shape_cast %broadcast_in_dim3A_167 : vector<16x1xi32> to vector<16xi32>
    %gather3A_169 = tpu.dynamic_gather %min3A[%gather3A_168] in [0] : vector<16xi32>, vector<16xi32> -> vector<16xi32>
    %min3A_170 = arith.minsi %min3A, %gather3A_169 : vector<16xi32>
    %lt3A_171 = arith.constant 0 : i32
    %lt3A_172 = vector.broadcast %lt3A_171 : i32 to vector<16xi32>
    %lt3A_173 = arith.cmpi slt, %xor3A_10, %lt3A_172 : vector<16xi32>
    %add3A_174 = arith.constant 16 : i32
    %add3A_175 = vector.broadcast %add3A_174 : i32 to vector<16xi32>
    %add3A_176 = arith.addi %xor3A_10, %add3A_175 : vector<16xi32>
    %select_n3A_177 = arith.select %lt3A_173, %add3A_176, %xor3A_10 : vector<16xi1>, vector<16xi32>
    %broadcast_in_dim3A_178 = vector.shape_cast %select_n3A_177 : vector<16xi32> to vector<16x1xi32>
    %gather3A_179 = vector.shape_cast %broadcast_in_dim3A_178 : vector<16x1xi32> to vector<16xi32>
    %gather3A_180 = tpu.dynamic_gather %min3A_170[%gather3A_179] in [0] : vector<16xi32>, vector<16xi32> -> vector<16xi32>
    %min3A_181 = arith.minsi %min3A_170, %gather3A_180 : vector<16xi32>
    %lt3A_182 = arith.constant 0 : i32
    %lt3A_183 = vector.broadcast %lt3A_182 : i32 to vector<16xi32>
    %lt3A_184 = arith.cmpi slt, %xor3A_13, %lt3A_183 : vector<16xi32>
    %add3A_185 = arith.constant 16 : i32
    %add3A_186 = vector.broadcast %add3A_185 : i32 to vector<16xi32>
    %add3A_187 = arith.addi %xor3A_13, %add3A_186 : vector<16xi32>
    %select_n3A_188 = arith.select %lt3A_184, %add3A_187, %xor3A_13 : vector<16xi1>, vector<16xi32>
    %broadcast_in_dim3A_189 = vector.shape_cast %select_n3A_188 : vector<16xi32> to vector<16x1xi32>
    %gather3A_190 = vector.shape_cast %broadcast_in_dim3A_189 : vector<16x1xi32> to vector<16xi32>
    %gather3A_191 = tpu.dynamic_gather %min3A_181[%gather3A_190] in [0] : vector<16xi32>, vector<16xi32> -> vector<16xi32>
    %min3A_192 = arith.minsi %min3A_181, %gather3A_191 : vector<16xi32>
    %eq3A_193 = arith.cmpi eq, %iota3A, %min3A_192 : vector<16xi32>
    %jit3A_194 = arith.constant -1.000000e+30 : f32
    %broadcast_in_dim3A_195 = vector.broadcast %jit3A_194 : f32 to vector<16xf32>
    %select_n3A_196 = arith.select %eq3A_193, %broadcast_in_dim3A_195, %div3A : vector<16xi1>, vector<16xf32>
    %lt3A_197 = arith.constant 0 : i32
    %lt3A_198 = vector.broadcast %lt3A_197 : i32 to vector<16xi32>
    %lt3A_199 = arith.cmpi slt, %xor3A_4, %lt3A_198 : vector<16xi32>
    %add3A_200 = arith.constant 16 : i32
    %add3A_201 = vector.broadcast %add3A_200 : i32 to vector<16xi32>
    %add3A_202 = arith.addi %xor3A_4, %add3A_201 : vector<16xi32>
    %select_n3A_203 = arith.select %lt3A_199, %add3A_202, %xor3A_4 : vector<16xi1>, vector<16xi32>
    %broadcast_in_dim3A_204 = vector.shape_cast %select_n3A_203 : vector<16xi32> to vector<16x1xi32>
    %gather3A_205 = vector.shape_cast %broadcast_in_dim3A_204 : vector<16x1xi32> to vector<16xi32>
    %gather3A_206 = tpu.dynamic_gather %select_n3A_196[%gather3A_205] in [0] : vector<16xf32>, vector<16xi32> -> vector<16xf32>
    %max3A_207 = arith.maximumf %select_n3A_196, %gather3A_206 : vector<16xf32>
    %lt3A_208 = arith.constant 0 : i32
    %lt3A_209 = vector.broadcast %lt3A_208 : i32 to vector<16xi32>
    %lt3A_210 = arith.cmpi slt, %xor3A_7, %lt3A_209 : vector<16xi32>
    %add3A_211 = arith.constant 16 : i32
    %add3A_212 = vector.broadcast %add3A_211 : i32 to vector<16xi32>
    %add3A_213 = arith.addi %xor3A_7, %add3A_212 : vector<16xi32>
    %select_n3A_214 = arith.select %lt3A_210, %add3A_213, %xor3A_7 : vector<16xi1>, vector<16xi32>
    %broadcast_in_dim3A_215 = vector.shape_cast %select_n3A_214 : vector<16xi32> to vector<16x1xi32>
    %gather3A_216 = vector.shape_cast %broadcast_in_dim3A_215 : vector<16x1xi32> to vector<16xi32>
    %gather3A_217 = tpu.dynamic_gather %max3A_207[%gather3A_216] in [0] : vector<16xf32>, vector<16xi32> -> vector<16xf32>
    %max3A_218 = arith.maximumf %max3A_207, %gather3A_217 : vector<16xf32>
    %lt3A_219 = arith.constant 0 : i32
    %lt3A_220 = vector.broadcast %lt3A_219 : i32 to vector<16xi32>
    %lt3A_221 = arith.cmpi slt, %xor3A_10, %lt3A_220 : vector<16xi32>
    %add3A_222 = arith.constant 16 : i32
    %add3A_223 = vector.broadcast %add3A_222 : i32 to vector<16xi32>
    %add3A_224 = arith.addi %xor3A_10, %add3A_223 : vector<16xi32>
    %select_n3A_225 = arith.select %lt3A_221, %add3A_224, %xor3A_10 : vector<16xi1>, vector<16xi32>
    %broadcast_in_dim3A_226 = vector.shape_cast %select_n3A_225 : vector<16xi32> to vector<16x1xi32>
    %gather3A_227 = vector.shape_cast %broadcast_in_dim3A_226 : vector<16x1xi32> to vector<16xi32>
    %gather3A_228 = tpu.dynamic_gather %max3A_218[%gather3A_227] in [0] : vector<16xf32>, vector<16xi32> -> vector<16xf32>
    %max3A_229 = arith.maximumf %max3A_218, %gather3A_228 : vector<16xf32>
    %lt3A_230 = arith.constant 0 : i32
    %lt3A_231 = vector.broadcast %lt3A_230 : i32 to vector<16xi32>
    %lt3A_232 = arith.cmpi slt, %xor3A_13, %lt3A_231 : vector<16xi32>
    %add3A_233 = arith.constant 16 : i32
    %add3A_234 = vector.broadcast %add3A_233 : i32 to vector<16xi32>
    %add3A_235 = arith.addi %xor3A_13, %add3A_234 : vector<16xi32>
    %select_n3A_236 = arith.select %lt3A_232, %add3A_235, %xor3A_13 : vector<16xi1>, vector<16xi32>
    %broadcast_in_dim3A_237 = vector.shape_cast %select_n3A_236 : vector<16xi32> to vector<16x1xi32>
    %gather3A_238 = vector.shape_cast %broadcast_in_dim3A_237 : vector<16x1xi32> to vector<16xi32>
    %gather3A_239 = tpu.dynamic_gather %max3A_229[%gather3A_238] in [0] : vector<16xf32>, vector<16xi32> -> vector<16xf32>
    %max3A_240 = arith.maximumf %max3A_229, %gather3A_239 : vector<16xf32>
    %eq3A_241 = arith.cmpf oeq, %select_n3A_196, %max3A_240 : vector<16xf32>
    %jit3A_242 = arith.constant 16 : i32
    %broadcast_in_dim3A_243 = vector.broadcast %jit3A_242 : i32 to vector<16xi32>
    %select_n3A_244 = arith.select %eq3A_241, %iota3A, %broadcast_in_dim3A_243 : vector<16xi1>, vector<16xi32>
    %lt3A_245 = arith.constant 0 : i32
    %lt3A_246 = vector.broadcast %lt3A_245 : i32 to vector<16xi32>
    %lt3A_247 = arith.cmpi slt, %xor3A_4, %lt3A_246 : vector<16xi32>
    %add3A_248 = arith.constant 16 : i32
    %add3A_249 = vector.broadcast %add3A_248 : i32 to vector<16xi32>
    %add3A_250 = arith.addi %xor3A_4, %add3A_249 : vector<16xi32>
    %select_n3A_251 = arith.select %lt3A_247, %add3A_250, %xor3A_4 : vector<16xi1>, vector<16xi32>
    %broadcast_in_dim3A_252 = vector.shape_cast %select_n3A_251 : vector<16xi32> to vector<16x1xi32>
    %gather3A_253 = vector.shape_cast %broadcast_in_dim3A_252 : vector<16x1xi32> to vector<16xi32>
    %gather3A_254 = tpu.dynamic_gather %select_n3A_244[%gather3A_253] in [0] : vector<16xi32>, vector<16xi32> -> vector<16xi32>
    %min3A_255 = arith.minsi %select_n3A_244, %gather3A_254 : vector<16xi32>
    %lt3A_256 = arith.constant 0 : i32
    %lt3A_257 = vector.broadcast %lt3A_256 : i32 to vector<16xi32>
    %lt3A_258 = arith.cmpi slt, %xor3A_7, %lt3A_257 : vector<16xi32>
    %add3A_259 = arith.constant 16 : i32
    %add3A_260 = vector.broadcast %add3A_259 : i32 to vector<16xi32>
    %add3A_261 = arith.addi %xor3A_7, %add3A_260 : vector<16xi32>
    %select_n3A_262 = arith.select %lt3A_258, %add3A_261, %xor3A_7 : vector<16xi1>, vector<16xi32>
    %broadcast_in_dim3A_263 = vector.shape_cast %select_n3A_262 : vector<16xi32> to vector<16x1xi32>
    %gather3A_264 = vector.shape_cast %broadcast_in_dim3A_263 : vector<16x1xi32> to vector<16xi32>
    %gather3A_265 = tpu.dynamic_gather %min3A_255[%gather3A_264] in [0] : vector<16xi32>, vector<16xi32> -> vector<16xi32>
    %min3A_266 = arith.minsi %min3A_255, %gather3A_265 : vector<16xi32>
    %lt3A_267 = arith.constant 0 : i32
    %lt3A_268 = vector.broadcast %lt3A_267 : i32 to vector<16xi32>
    %lt3A_269 = arith.cmpi slt, %xor3A_10, %lt3A_268 : vector<16xi32>
    %add3A_270 = arith.constant 16 : i32
    %add3A_271 = vector.broadcast %add3A_270 : i32 to vector<16xi32>
    %add3A_272 = arith.addi %xor3A_10, %add3A_271 : vector<16xi32>
    %select_n3A_273 = arith.select %lt3A_269, %add3A_272, %xor3A_10 : vector<16xi1>, vector<16xi32>
    %broadcast_in_dim3A_274 = vector.shape_cast %select_n3A_273 : vector<16xi32> to vector<16x1xi32>
    %gather3A_275 = vector.shape_cast %broadcast_in_dim3A_274 : vector<16x1xi32> to vector<16xi32>
    %gather3A_276 = tpu.dynamic_gather %min3A_266[%gather3A_275] in [0] : vector<16xi32>, vector<16xi32> -> vector<16xi32>
    %min3A_277 = arith.minsi %min3A_266, %gather3A_276 : vector<16xi32>
    %lt3A_278 = arith.constant 0 : i32
    %lt3A_279 = vector.broadcast %lt3A_278 : i32 to vector<16xi32>
    %lt3A_280 = arith.cmpi slt, %xor3A_13, %lt3A_279 : vector<16xi32>
    %add3A_281 = arith.constant 16 : i32
    %add3A_282 = vector.broadcast %add3A_281 : i32 to vector<16xi32>
    %add3A_283 = arith.addi %xor3A_13, %add3A_282 : vector<16xi32>
    %select_n3A_284 = arith.select %lt3A_280, %add3A_283, %xor3A_13 : vector<16xi1>, vector<16xi32>
    %broadcast_in_dim3A_285 = vector.shape_cast %select_n3A_284 : vector<16xi32> to vector<16x1xi32>
    %gather3A_286 = vector.shape_cast %broadcast_in_dim3A_285 : vector<16x1xi32> to vector<16xi32>
    %gather3A_287 = tpu.dynamic_gather %min3A_277[%gather3A_286] in [0] : vector<16xi32>, vector<16xi32> -> vector<16xi32>
    %min3A_288 = arith.minsi %min3A_277, %gather3A_287 : vector<16xi32>
    %add3A_289 = arith.addf %max3A_147, %max3A_240 : vector<16xf32>
    %add3A_290 = arith.constant 9.99999968E-21 : f32
    %add3A_291 = vector.broadcast %add3A_290 : f32 to vector<16xf32>
    %add3A_292 = arith.addf %add3A_289, %add3A_291 : vector<16xf32>
    %eq3A_293 = arith.cmpi eq, %iota3A, %min3A_192 : vector<16xi32>
    %div3A_294 = arith.divf %max3A_147, %add3A_292 : vector<16xf32>
    %jit3A_295 = arith.constant 0.000000e+00 : f32
    %broadcast_in_dim3A_296 = vector.broadcast %jit3A_295 : f32 to vector<16xf32>
    %select_n3A_297 = arith.select %eq3A_293, %div3A_294, %broadcast_in_dim3A_296 : vector<16xi1>, vector<16xf32>
    %eq3A_298 = arith.cmpi eq, %iota3A, %min3A_288 : vector<16xi32>
    %div3A_299 = arith.divf %max3A_240, %add3A_292 : vector<16xf32>
    %jit3A_300 = arith.constant 0.000000e+00 : f32
    %broadcast_in_dim3A_301 = vector.broadcast %jit3A_300 : f32 to vector<16xf32>
    %select_n3A_302 = arith.select %eq3A_298, %div3A_299, %broadcast_in_dim3A_301 : vector<16xi1>, vector<16xf32>
    %add3A_303 = arith.addf %select_n3A_297, %select_n3A_302 : vector<16xf32>
    %swap3A = arith.constant 0 : i32
    %swap3A_304 = arith.index_cast %swap3A : i32 to index
    %swap3A_305 = arith.constant 0 : index
    %swap3A_306 = tpu.vector_load %arg7[%swap3A_304, %swap3A_305] {strides = array<i32>} : memref<2x16xf32, #tpu.memory_space<vmem>>, vector<1x16xf32>,
    %swap3A_307 = vector.shape_cast %swap3A_306 : vector<1x16xf32> to vector<16xf32>
    %swap3A_308 = vector.shape_cast %add3A_303 : vector<16xf32> to vector<1x16xf32>
    tpu.vector_store %arg7[%swap3A_304, %swap3A_305], %swap3A_308 {strides = array<i32>} : memref<2x16xf32, #tpu.memory_space<vmem>>, vector<1x16xf32>,
    %broadcast_in_dim3A_309 = arith.constant 0.000000e+00 : f32
    %broadcast_in_dim3A_310 = vector.broadcast %broadcast_in_dim3A_309 : f32 to vector<16xf32>
    %scan3A_311 = arith.constant 0 : i32
    %scan3A_312 = arith.constant 16 : i32
    %scan3A_313 = arith.addi %scan3A_311, %scan3A_312 : i32
    %scan3A_314 = arith.constant 1 : i32
    %scan3A_315 = scf.for %scan3A_617 = %scan3A_311 to %scan3A_313 step %scan3A_314 iter_args(%scan3A_618 = %broadcast_in_dim3A_310) -> (vector<16xf32>)  : i32 {
      %broadcast_in_dim3A_619 = arith.constant 0.000000e+00 : f32
      %broadcast_in_dim3A_620 = vector.broadcast %broadcast_in_dim3A_619 : f32 to vector<16xf32>
      %scan3A_621 = arith.constant 0 : i32
      %scan3A_622 = arith.constant 48 : i32
      %scan3A_623 = arith.addi %scan3A_621, %scan3A_622 : i32
      %scan3A_624 = arith.constant 1 : i32
      %scan3A_625 = scf.for %scan3A_674 = %scan3A_621 to %scan3A_623 step %scan3A_624 iter_args(%scan3A_675 = %broadcast_in_dim3A_620) -> (vector<16xf32>)  : i32 {
        %mul3A_676 = arith.constant 16 : i32
        %mul3A_677 = arith.muli %scan3A_674, %mul3A_676 : i32
        %get3A = arith.constant 1 : i32
        %get3A_678 = arith.index_cast %get3A : i32 to index
        %get3A_679 = arith.index_cast %mul3A_677 : i32 to index
        %get3A_680 = tpu.vector_load %arg6[%get3A_678, %get3A_679] {strides = array<i32>} : memref<2x768xf32, #tpu.memory_space<vmem>>, vector<1x16xf32>,
        %get3A_681 = vector.shape_cast %get3A_680 : vector<1x16xf32> to vector<16xf32>
        %mul3A_682 = arith.constant 6.553700e+04 : f32
        %mul3A_683 = vector.broadcast %mul3A_682 : f32 to vector<16xf32>
        %mul3A_684 = arith.mulf %get3A_681, %mul3A_683 : vector<16xf32>
        %sub3A_685 = arith.subf %mul3A_684, %get3A_681 : vector<16xf32>
        %sub3A_686 = arith.subf %mul3A_684, %sub3A_685 : vector<16xf32>
        %mul3A_687 = arith.constant 16 : i32
        %mul3A_688 = arith.muli %scan3A_674, %mul3A_687 : i32
        %get3A_689 = arith.index_cast %scan3A_617 : i32 to index
        %get3A_690 = arith.index_cast %mul3A_688 : i32 to index
        %get3A_691 = tpu.vector_load %arg5[%get3A_689, %get3A_690] {strides = array<i32>} : memref<16x768xf32, #tpu.memory_space<vmem>>, vector<1x16xf32>,
        %get3A_692 = vector.shape_cast %get3A_691 : vector<1x16xf32> to vector<16xf32>
        %mul3A_693 = arith.constant 6.553700e+04 : f32
        %mul3A_694 = vector.broadcast %mul3A_693 : f32 to vector<16xf32>
        %mul3A_695 = arith.mulf %get3A_692, %mul3A_694 : vector<16xf32>
        %sub3A_696 = arith.subf %mul3A_695, %get3A_692 : vector<16xf32>
        %sub3A_697 = arith.subf %mul3A_695, %sub3A_696 : vector<16xf32>
        %mul3A_698 = arith.mulf %sub3A_686, %sub3A_697 : vector<16xf32>
        %add3A_699 = arith.addf %scan3A_675, %mul3A_698 : vector<16xf32>
        scf.yield %add3A_699 : vector<16xf32>
      }
      %scan3A_626 = arith.constant 48 : i32
      %eq3A_627 = vector.broadcast %scan3A_617 : i32 to vector<16xi32>
      %eq3A_628 = arith.cmpi eq, %iota3A, %eq3A_627 : vector<16xi32>
      %lt3A_629 = arith.constant 0 : i32
      %lt3A_630 = vector.broadcast %lt3A_629 : i32 to vector<16xi32>
      %lt3A_631 = arith.cmpi slt, %xor3A_4, %lt3A_630 : vector<16xi32>
      %add3A_632 = arith.constant 16 : i32
      %add3A_633 = vector.broadcast %add3A_632 : i32 to vector<16xi32>
      %add3A_634 = arith.addi %xor3A_4, %add3A_633 : vector<16xi32>
      %select_n3A_635 = arith.select %lt3A_631, %add3A_634, %xor3A_4 : vector<16xi1>, vector<16xi32>
      %broadcast_in_dim3A_636 = vector.shape_cast %select_n3A_635 : vector<16xi32> to vector<16x1xi32>
      %gather3A_637 = vector.shape_cast %broadcast_in_dim3A_636 : vector<16x1xi32> to vector<16xi32>
      %gather3A_638 = tpu.dynamic_gather %scan3A_625[%gather3A_637] in [0] : vector<16xf32>, vector<16xi32> -> vector<16xf32>
      %add3A_639 = arith.addf %scan3A_625, %gather3A_638 : vector<16xf32>
      %lt3A_640 = arith.constant 0 : i32
      %lt3A_641 = vector.broadcast %lt3A_640 : i32 to vector<16xi32>
      %lt3A_642 = arith.cmpi slt, %xor3A_7, %lt3A_641 : vector<16xi32>
      %add3A_643 = arith.constant 16 : i32
      %add3A_644 = vector.broadcast %add3A_643 : i32 to vector<16xi32>
      %add3A_645 = arith.addi %xor3A_7, %add3A_644 : vector<16xi32>
      %select_n3A_646 = arith.select %lt3A_642, %add3A_645, %xor3A_7 : vector<16xi1>, vector<16xi32>
      %broadcast_in_dim3A_647 = vector.shape_cast %select_n3A_646 : vector<16xi32> to vector<16x1xi32>
      %gather3A_648 = vector.shape_cast %broadcast_in_dim3A_647 : vector<16x1xi32> to vector<16xi32>
      %gather3A_649 = tpu.dynamic_gather %add3A_639[%gather3A_648] in [0] : vector<16xf32>, vector<16xi32> -> vector<16xf32>
      %add3A_650 = arith.addf %add3A_639, %gather3A_649 : vector<16xf32>
      %lt3A_651 = arith.constant 0 : i32
      %lt3A_652 = vector.broadcast %lt3A_651 : i32 to vector<16xi32>
      %lt3A_653 = arith.cmpi slt, %xor3A_10, %lt3A_652 : vector<16xi32>
      %add3A_654 = arith.constant 16 : i32
      %add3A_655 = vector.broadcast %add3A_654 : i32 to vector<16xi32>
      %add3A_656 = arith.addi %xor3A_10, %add3A_655 : vector<16xi32>
      %select_n3A_657 = arith.select %lt3A_653, %add3A_656, %xor3A_10 : vector<16xi1>, vector<16xi32>
      %broadcast_in_dim3A_658 = vector.shape_cast %select_n3A_657 : vector<16xi32> to vector<16x1xi32>
      %gather3A_659 = vector.shape_cast %broadcast_in_dim3A_658 : vector<16x1xi32> to vector<16xi32>
      %gather3A_660 = tpu.dynamic_gather %add3A_650[%gather3A_659] in [0] : vector<16xf32>, vector<16xi32> -> vector<16xf32>
      %add3A_661 = arith.addf %add3A_650, %gather3A_660 : vector<16xf32>
      %lt3A_662 = arith.constant 0 : i32
      %lt3A_663 = vector.broadcast %lt3A_662 : i32 to vector<16xi32>
      %lt3A_664 = arith.cmpi slt, %xor3A_13, %lt3A_663 : vector<16xi32>
      %add3A_665 = arith.constant 16 : i32
      %add3A_666 = vector.broadcast %add3A_665 : i32 to vector<16xi32>
      %add3A_667 = arith.addi %xor3A_13, %add3A_666 : vector<16xi32>
      %select_n3A_668 = arith.select %lt3A_664, %add3A_667, %xor3A_13 : vector<16xi1>, vector<16xi32>
      %broadcast_in_dim3A_669 = vector.shape_cast %select_n3A_668 : vector<16xi32> to vector<16x1xi32>
      %gather3A_670 = vector.shape_cast %broadcast_in_dim3A_669 : vector<16x1xi32> to vector<16xi32>
      %gather3A_671 = tpu.dynamic_gather %add3A_661[%gather3A_670] in [0] : vector<16xf32>, vector<16xi32> -> vector<16xf32>
      %add3A_672 = arith.addf %add3A_661, %gather3A_671 : vector<16xf32>
      %select_n3A_673 = arith.select %eq3A_628, %add3A_672, %scan3A_618 : vector<16xi1>, vector<16xf32>
      scf.yield %select_n3A_673 : vector<16xf32>
    }
    %scan3A_316 = arith.constant 16 : i32
    %lt3A_317 = arith.constant 0 : i32
    %lt3A_318 = vector.broadcast %lt3A_317 : i32 to vector<16xi32>
    %lt3A_319 = arith.cmpi slt, %xor3A_4, %lt3A_318 : vector<16xi32>
    %add3A_320 = arith.constant 16 : i32
    %add3A_321 = vector.broadcast %add3A_320 : i32 to vector<16xi32>
    %add3A_322 = arith.addi %xor3A_4, %add3A_321 : vector<16xi32>
    %select_n3A_323 = arith.select %lt3A_319, %add3A_322, %xor3A_4 : vector<16xi1>, vector<16xi32>
    %broadcast_in_dim3A_324 = vector.shape_cast %select_n3A_323 : vector<16xi32> to vector<16x1xi32>
    %gather3A_325 = vector.shape_cast %broadcast_in_dim3A_324 : vector<16x1xi32> to vector<16xi32>
    %gather3A_326 = tpu.dynamic_gather %scan3A_315[%gather3A_325] in [0] : vector<16xf32>, vector<16xi32> -> vector<16xf32>
    %max3A_327 = arith.maximumf %scan3A_315, %gather3A_326 : vector<16xf32>
    %lt3A_328 = arith.constant 0 : i32
    %lt3A_329 = vector.broadcast %lt3A_328 : i32 to vector<16xi32>
    %lt3A_330 = arith.cmpi slt, %xor3A_7, %lt3A_329 : vector<16xi32>
    %add3A_331 = arith.constant 16 : i32
    %add3A_332 = vector.broadcast %add3A_331 : i32 to vector<16xi32>
    %add3A_333 = arith.addi %xor3A_7, %add3A_332 : vector<16xi32>
    %select_n3A_334 = arith.select %lt3A_330, %add3A_333, %xor3A_7 : vector<16xi1>, vector<16xi32>
    %broadcast_in_dim3A_335 = vector.shape_cast %select_n3A_334 : vector<16xi32> to vector<16x1xi32>
    %gather3A_336 = vector.shape_cast %broadcast_in_dim3A_335 : vector<16x1xi32> to vector<16xi32>
    %gather3A_337 = tpu.dynamic_gather %max3A_327[%gather3A_336] in [0] : vector<16xf32>, vector<16xi32> -> vector<16xf32>
    %max3A_338 = arith.maximumf %max3A_327, %gather3A_337 : vector<16xf32>
    %lt3A_339 = arith.constant 0 : i32
    %lt3A_340 = vector.broadcast %lt3A_339 : i32 to vector<16xi32>
    %lt3A_341 = arith.cmpi slt, %xor3A_10, %lt3A_340 : vector<16xi32>
    %add3A_342 = arith.constant 16 : i32
    %add3A_343 = vector.broadcast %add3A_342 : i32 to vector<16xi32>
    %add3A_344 = arith.addi %xor3A_10, %add3A_343 : vector<16xi32>
    %select_n3A_345 = arith.select %lt3A_341, %add3A_344, %xor3A_10 : vector<16xi1>, vector<16xi32>
    %broadcast_in_dim3A_346 = vector.shape_cast %select_n3A_345 : vector<16xi32> to vector<16x1xi32>
    %gather3A_347 = vector.shape_cast %broadcast_in_dim3A_346 : vector<16x1xi32> to vector<16xi32>
    %gather3A_348 = tpu.dynamic_gather %max3A_338[%gather3A_347] in [0] : vector<16xf32>, vector<16xi32> -> vector<16xf32>
    %max3A_349 = arith.maximumf %max3A_338, %gather3A_348 : vector<16xf32>
    %lt3A_350 = arith.constant 0 : i32
    %lt3A_351 = vector.broadcast %lt3A_350 : i32 to vector<16xi32>
    %lt3A_352 = arith.cmpi slt, %xor3A_13, %lt3A_351 : vector<16xi32>
    %add3A_353 = arith.constant 16 : i32
    %add3A_354 = vector.broadcast %add3A_353 : i32 to vector<16xi32>
    %add3A_355 = arith.addi %xor3A_13, %add3A_354 : vector<16xi32>
    %select_n3A_356 = arith.select %lt3A_352, %add3A_355, %xor3A_13 : vector<16xi1>, vector<16xi32>
    %broadcast_in_dim3A_357 = vector.shape_cast %select_n3A_356 : vector<16xi32> to vector<16x1xi32>
    %gather3A_358 = vector.shape_cast %broadcast_in_dim3A_357 : vector<16x1xi32> to vector<16xi32>
    %gather3A_359 = tpu.dynamic_gather %max3A_349[%gather3A_358] in [0] : vector<16xf32>, vector<16xi32> -> vector<16xf32>
    %max3A_360 = arith.maximumf %max3A_349, %gather3A_359 : vector<16xf32>
    %sub3A_361 = arith.subf %scan3A_315, %max3A_360 : vector<16xf32>
    %exp3A_362 = math.exp %sub3A_361 : vector<16xf32>
    %lt3A_363 = arith.constant 0 : i32
    %lt3A_364 = vector.broadcast %lt3A_363 : i32 to vector<16xi32>
    %lt3A_365 = arith.cmpi slt, %xor3A_4, %lt3A_364 : vector<16xi32>
    %add3A_366 = arith.constant 16 : i32
    %add3A_367 = vector.broadcast %add3A_366 : i32 to vector<16xi32>
    %add3A_368 = arith.addi %xor3A_4, %add3A_367 : vector<16xi32>
    %select_n3A_369 = arith.select %lt3A_365, %add3A_368, %xor3A_4 : vector<16xi1>, vector<16xi32>
    %broadcast_in_dim3A_370 = vector.shape_cast %select_n3A_369 : vector<16xi32> to vector<16x1xi32>
    %gather3A_371 = vector.shape_cast %broadcast_in_dim3A_370 : vector<16x1xi32> to vector<16xi32>
    %gather3A_372 = tpu.dynamic_gather %exp3A_362[%gather3A_371] in [0] : vector<16xf32>, vector<16xi32> -> vector<16xf32>
    %add3A_373 = arith.addf %exp3A_362, %gather3A_372 : vector<16xf32>
    %lt3A_374 = arith.constant 0 : i32
    %lt3A_375 = vector.broadcast %lt3A_374 : i32 to vector<16xi32>
    %lt3A_376 = arith.cmpi slt, %xor3A_7, %lt3A_375 : vector<16xi32>
    %add3A_377 = arith.constant 16 : i32
    %add3A_378 = vector.broadcast %add3A_377 : i32 to vector<16xi32>
    %add3A_379 = arith.addi %xor3A_7, %add3A_378 : vector<16xi32>
    %select_n3A_380 = arith.select %lt3A_376, %add3A_379, %xor3A_7 : vector<16xi1>, vector<16xi32>
    %broadcast_in_dim3A_381 = vector.shape_cast %select_n3A_380 : vector<16xi32> to vector<16x1xi32>
    %gather3A_382 = vector.shape_cast %broadcast_in_dim3A_381 : vector<16x1xi32> to vector<16xi32>
    %gather3A_383 = tpu.dynamic_gather %add3A_373[%gather3A_382] in [0] : vector<16xf32>, vector<16xi32> -> vector<16xf32>
    %add3A_384 = arith.addf %add3A_373, %gather3A_383 : vector<16xf32>
    %lt3A_385 = arith.constant 0 : i32
    %lt3A_386 = vector.broadcast %lt3A_385 : i32 to vector<16xi32>
    %lt3A_387 = arith.cmpi slt, %xor3A_10, %lt3A_386 : vector<16xi32>
    %add3A_388 = arith.constant 16 : i32
    %add3A_389 = vector.broadcast %add3A_388 : i32 to vector<16xi32>
    %add3A_390 = arith.addi %xor3A_10, %add3A_389 : vector<16xi32>
    %select_n3A_391 = arith.select %lt3A_387, %add3A_390, %xor3A_10 : vector<16xi1>, vector<16xi32>
    %broadcast_in_dim3A_392 = vector.shape_cast %select_n3A_391 : vector<16xi32> to vector<16x1xi32>
    %gather3A_393 = vector.shape_cast %broadcast_in_dim3A_392 : vector<16x1xi32> to vector<16xi32>
    %gather3A_394 = tpu.dynamic_gather %add3A_384[%gather3A_393] in [0] : vector<16xf32>, vector<16xi32> -> vector<16xf32>
    %add3A_395 = arith.addf %add3A_384, %gather3A_394 : vector<16xf32>
    %lt3A_396 = arith.constant 0 : i32
    %lt3A_397 = vector.broadcast %lt3A_396 : i32 to vector<16xi32>
    %lt3A_398 = arith.cmpi slt, %xor3A_13, %lt3A_397 : vector<16xi32>
    %add3A_399 = arith.constant 16 : i32
    %add3A_400 = vector.broadcast %add3A_399 : i32 to vector<16xi32>
    %add3A_401 = arith.addi %xor3A_13, %add3A_400 : vector<16xi32>
    %select_n3A_402 = arith.select %lt3A_398, %add3A_401, %xor3A_13 : vector<16xi1>, vector<16xi32>
    %broadcast_in_dim3A_403 = vector.shape_cast %select_n3A_402 : vector<16xi32> to vector<16x1xi32>
    %gather3A_404 = vector.shape_cast %broadcast_in_dim3A_403 : vector<16x1xi32> to vector<16xi32>
    %gather3A_405 = tpu.dynamic_gather %add3A_395[%gather3A_404] in [0] : vector<16xf32>, vector<16xi32> -> vector<16xf32>
    %add3A_406 = arith.addf %add3A_395, %gather3A_405 : vector<16xf32>
    %div3A_407 = arith.divf %exp3A_362, %add3A_406 : vector<16xf32>
    %lt3A_408 = arith.constant 0 : i32
    %lt3A_409 = vector.broadcast %lt3A_408 : i32 to vector<16xi32>
    %lt3A_410 = arith.cmpi slt, %xor3A_4, %lt3A_409 : vector<16xi32>
    %add3A_411 = arith.constant 16 : i32
    %add3A_412 = vector.broadcast %add3A_411 : i32 to vector<16xi32>
    %add3A_413 = arith.addi %xor3A_4, %add3A_412 : vector<16xi32>
    %select_n3A_414 = arith.select %lt3A_410, %add3A_413, %xor3A_4 : vector<16xi1>, vector<16xi32>
    %broadcast_in_dim3A_415 = vector.shape_cast %select_n3A_414 : vector<16xi32> to vector<16x1xi32>
    %gather3A_416 = vector.shape_cast %broadcast_in_dim3A_415 : vector<16x1xi32> to vector<16xi32>
    %gather3A_417 = tpu.dynamic_gather %div3A_407[%gather3A_416] in [0] : vector<16xf32>, vector<16xi32> -> vector<16xf32>
    %max3A_418 = arith.maximumf %div3A_407, %gather3A_417 : vector<16xf32>
    %lt3A_419 = arith.constant 0 : i32
    %lt3A_420 = vector.broadcast %lt3A_419 : i32 to vector<16xi32>
    %lt3A_421 = arith.cmpi slt, %xor3A_7, %lt3A_420 : vector<16xi32>
    %add3A_422 = arith.constant 16 : i32
    %add3A_423 = vector.broadcast %add3A_422 : i32 to vector<16xi32>
    %add3A_424 = arith.addi %xor3A_7, %add3A_423 : vector<16xi32>
    %select_n3A_425 = arith.select %lt3A_421, %add3A_424, %xor3A_7 : vector<16xi1>, vector<16xi32>
    %broadcast_in_dim3A_426 = vector.shape_cast %select_n3A_425 : vector<16xi32> to vector<16x1xi32>
    %gather3A_427 = vector.shape_cast %broadcast_in_dim3A_426 : vector<16x1xi32> to vector<16xi32>
    %gather3A_428 = tpu.dynamic_gather %max3A_418[%gather3A_427] in [0] : vector<16xf32>, vector<16xi32> -> vector<16xf32>
    %max3A_429 = arith.maximumf %max3A_418, %gather3A_428 : vector<16xf32>
    %lt3A_430 = arith.constant 0 : i32
    %lt3A_431 = vector.broadcast %lt3A_430 : i32 to vector<16xi32>
    %lt3A_432 = arith.cmpi slt, %xor3A_10, %lt3A_431 : vector<16xi32>
    %add3A_433 = arith.constant 16 : i32
    %add3A_434 = vector.broadcast %add3A_433 : i32 to vector<16xi32>
    %add3A_435 = arith.addi %xor3A_10, %add3A_434 : vector<16xi32>
    %select_n3A_436 = arith.select %lt3A_432, %add3A_435, %xor3A_10 : vector<16xi1>, vector<16xi32>
    %broadcast_in_dim3A_437 = vector.shape_cast %select_n3A_436 : vector<16xi32> to vector<16x1xi32>
    %gather3A_438 = vector.shape_cast %broadcast_in_dim3A_437 : vector<16x1xi32> to vector<16xi32>
    %gather3A_439 = tpu.dynamic_gather %max3A_429[%gather3A_438] in [0] : vector<16xf32>, vector<16xi32> -> vector<16xf32>
    %max3A_440 = arith.maximumf %max3A_429, %gather3A_439 : vector<16xf32>
    %lt3A_441 = arith.constant 0 : i32
    %lt3A_442 = vector.broadcast %lt3A_441 : i32 to vector<16xi32>
    %lt3A_443 = arith.cmpi slt, %xor3A_13, %lt3A_442 : vector<16xi32>
    %add3A_444 = arith.constant 16 : i32
    %add3A_445 = vector.broadcast %add3A_444 : i32 to vector<16xi32>
    %add3A_446 = arith.addi %xor3A_13, %add3A_445 : vector<16xi32>
    %select_n3A_447 = arith.select %lt3A_443, %add3A_446, %xor3A_13 : vector<16xi1>, vector<16xi32>
    %broadcast_in_dim3A_448 = vector.shape_cast %select_n3A_447 : vector<16xi32> to vector<16x1xi32>
    %gather3A_449 = vector.shape_cast %broadcast_in_dim3A_448 : vector<16x1xi32> to vector<16xi32>
    %gather3A_450 = tpu.dynamic_gather %max3A_440[%gather3A_449] in [0] : vector<16xf32>, vector<16xi32> -> vector<16xf32>
    %max3A_451 = arith.maximumf %max3A_440, %gather3A_450 : vector<16xf32>
    %eq3A_452 = arith.cmpf oeq, %div3A_407, %max3A_451 : vector<16xf32>
    %jit3A_453 = arith.constant 16 : i32
    %broadcast_in_dim3A_454 = vector.broadcast %jit3A_453 : i32 to vector<16xi32>
    %select_n3A_455 = arith.select %eq3A_452, %iota3A, %broadcast_in_dim3A_454 : vector<16xi1>, vector<16xi32>
    %lt3A_456 = arith.constant 0 : i32
    %lt3A_457 = vector.broadcast %lt3A_456 : i32 to vector<16xi32>
    %lt3A_458 = arith.cmpi slt, %xor3A_4, %lt3A_457 : vector<16xi32>
    %add3A_459 = arith.constant 16 : i32
    %add3A_460 = vector.broadcast %add3A_459 : i32 to vector<16xi32>
    %add3A_461 = arith.addi %xor3A_4, %add3A_460 : vector<16xi32>
    %select_n3A_462 = arith.select %lt3A_458, %add3A_461, %xor3A_4 : vector<16xi1>, vector<16xi32>
    %broadcast_in_dim3A_463 = vector.shape_cast %select_n3A_462 : vector<16xi32> to vector<16x1xi32>
    %gather3A_464 = vector.shape_cast %broadcast_in_dim3A_463 : vector<16x1xi32> to vector<16xi32>
    %gather3A_465 = tpu.dynamic_gather %select_n3A_455[%gather3A_464] in [0] : vector<16xi32>, vector<16xi32> -> vector<16xi32>
    %min3A_466 = arith.minsi %select_n3A_455, %gather3A_465 : vector<16xi32>
    %lt3A_467 = arith.constant 0 : i32
    %lt3A_468 = vector.broadcast %lt3A_467 : i32 to vector<16xi32>
    %lt3A_469 = arith.cmpi slt, %xor3A_7, %lt3A_468 : vector<16xi32>
    %add3A_470 = arith.constant 16 : i32
    %add3A_471 = vector.broadcast %add3A_470 : i32 to vector<16xi32>
    %add3A_472 = arith.addi %xor3A_7, %add3A_471 : vector<16xi32>
    %select_n3A_473 = arith.select %lt3A_469, %add3A_472, %xor3A_7 : vector<16xi1>, vector<16xi32>
    %broadcast_in_dim3A_474 = vector.shape_cast %select_n3A_473 : vector<16xi32> to vector<16x1xi32>
    %gather3A_475 = vector.shape_cast %broadcast_in_dim3A_474 : vector<16x1xi32> to vector<16xi32>
    %gather3A_476 = tpu.dynamic_gather %min3A_466[%gather3A_475] in [0] : vector<16xi32>, vector<16xi32> -> vector<16xi32>
    %min3A_477 = arith.minsi %min3A_466, %gather3A_476 : vector<16xi32>
    %lt3A_478 = arith.constant 0 : i32
    %lt3A_479 = vector.broadcast %lt3A_478 : i32 to vector<16xi32>
    %lt3A_480 = arith.cmpi slt, %xor3A_10, %lt3A_479 : vector<16xi32>
    %add3A_481 = arith.constant 16 : i32
    %add3A_482 = vector.broadcast %add3A_481 : i32 to vector<16xi32>
    %add3A_483 = arith.addi %xor3A_10, %add3A_482 : vector<16xi32>
    %select_n3A_484 = arith.select %lt3A_480, %add3A_483, %xor3A_10 : vector<16xi1>, vector<16xi32>
    %broadcast_in_dim3A_485 = vector.shape_cast %select_n3A_484 : vector<16xi32> to vector<16x1xi32>
    %gather3A_486 = vector.shape_cast %broadcast_in_dim3A_485 : vector<16x1xi32> to vector<16xi32>
    %gather3A_487 = tpu.dynamic_gather %min3A_477[%gather3A_486] in [0] : vector<16xi32>, vector<16xi32> -> vector<16xi32>
    %min3A_488 = arith.minsi %min3A_477, %gather3A_487 : vector<16xi32>
    %lt3A_489 = arith.constant 0 : i32
    %lt3A_490 = vector.broadcast %lt3A_489 : i32 to vector<16xi32>
    %lt3A_491 = arith.cmpi slt, %xor3A_13, %lt3A_490 : vector<16xi32>
    %add3A_492 = arith.constant 16 : i32
    %add3A_493 = vector.broadcast %add3A_492 : i32 to vector<16xi32>
    %add3A_494 = arith.addi %xor3A_13, %add3A_493 : vector<16xi32>
    %select_n3A_495 = arith.select %lt3A_491, %add3A_494, %xor3A_13 : vector<16xi1>, vector<16xi32>
    %broadcast_in_dim3A_496 = vector.shape_cast %select_n3A_495 : vector<16xi32> to vector<16x1xi32>
    %gather3A_497 = vector.shape_cast %broadcast_in_dim3A_496 : vector<16x1xi32> to vector<16xi32>
    %gather3A_498 = tpu.dynamic_gather %min3A_488[%gather3A_497] in [0] : vector<16xi32>, vector<16xi32> -> vector<16xi32>
    %min3A_499 = arith.minsi %min3A_488, %gather3A_498 : vector<16xi32>
    %eq3A_500 = arith.cmpi eq, %iota3A, %min3A_499 : vector<16xi32>
    %jit3A_501 = arith.constant -1.000000e+30 : f32
    %broadcast_in_dim3A_502 = vector.broadcast %jit3A_501 : f32 to vector<16xf32>
    %select_n3A_503 = arith.select %eq3A_500, %broadcast_in_dim3A_502, %div3A_407 : vector<16xi1>, vector<16xf32>
    %lt3A_504 = arith.constant 0 : i32
    %lt3A_505 = vector.broadcast %lt3A_504 : i32 to vector<16xi32>
    %lt3A_506 = arith.cmpi slt, %xor3A_4, %lt3A_505 : vector<16xi32>
    %add3A_507 = arith.constant 16 : i32
    %add3A_508 = vector.broadcast %add3A_507 : i32 to vector<16xi32>
    %add3A_509 = arith.addi %xor3A_4, %add3A_508 : vector<16xi32>
    %select_n3A_510 = arith.select %lt3A_506, %add3A_509, %xor3A_4 : vector<16xi1>, vector<16xi32>
    %broadcast_in_dim3A_511 = vector.shape_cast %select_n3A_510 : vector<16xi32> to vector<16x1xi32>
    %gather3A_512 = vector.shape_cast %broadcast_in_dim3A_511 : vector<16x1xi32> to vector<16xi32>
    %gather3A_513 = tpu.dynamic_gather %select_n3A_503[%gather3A_512] in [0] : vector<16xf32>, vector<16xi32> -> vector<16xf32>
    %max3A_514 = arith.maximumf %select_n3A_503, %gather3A_513 : vector<16xf32>
    %lt3A_515 = arith.constant 0 : i32
    %lt3A_516 = vector.broadcast %lt3A_515 : i32 to vector<16xi32>
    %lt3A_517 = arith.cmpi slt, %xor3A_7, %lt3A_516 : vector<16xi32>
    %add3A_518 = arith.constant 16 : i32
    %add3A_519 = vector.broadcast %add3A_518 : i32 to vector<16xi32>
    %add3A_520 = arith.addi %xor3A_7, %add3A_519 : vector<16xi32>
    %select_n3A_521 = arith.select %lt3A_517, %add3A_520, %xor3A_7 : vector<16xi1>, vector<16xi32>
    %broadcast_in_dim3A_522 = vector.shape_cast %select_n3A_521 : vector<16xi32> to vector<16x1xi32>
    %gather3A_523 = vector.shape_cast %broadcast_in_dim3A_522 : vector<16x1xi32> to vector<16xi32>
    %gather3A_524 = tpu.dynamic_gather %max3A_514[%gather3A_523] in [0] : vector<16xf32>, vector<16xi32> -> vector<16xf32>
    %max3A_525 = arith.maximumf %max3A_514, %gather3A_524 : vector<16xf32>
    %lt3A_526 = arith.constant 0 : i32
    %lt3A_527 = vector.broadcast %lt3A_526 : i32 to vector<16xi32>
    %lt3A_528 = arith.cmpi slt, %xor3A_10, %lt3A_527 : vector<16xi32>
    %add3A_529 = arith.constant 16 : i32
    %add3A_530 = vector.broadcast %add3A_529 : i32 to vector<16xi32>
    %add3A_531 = arith.addi %xor3A_10, %add3A_530 : vector<16xi32>
    %select_n3A_532 = arith.select %lt3A_528, %add3A_531, %xor3A_10 : vector<16xi1>, vector<16xi32>
    %broadcast_in_dim3A_533 = vector.shape_cast %select_n3A_532 : vector<16xi32> to vector<16x1xi32>
    %gather3A_534 = vector.shape_cast %broadcast_in_dim3A_533 : vector<16x1xi32> to vector<16xi32>
    %gather3A_535 = tpu.dynamic_gather %max3A_525[%gather3A_534] in [0] : vector<16xf32>, vector<16xi32> -> vector<16xf32>
    %max3A_536 = arith.maximumf %max3A_525, %gather3A_535 : vector<16xf32>
    %lt3A_537 = arith.constant 0 : i32
    %lt3A_538 = vector.broadcast %lt3A_537 : i32 to vector<16xi32>
    %lt3A_539 = arith.cmpi slt, %xor3A_13, %lt3A_538 : vector<16xi32>
    %add3A_540 = arith.constant 16 : i32
    %add3A_541 = vector.broadcast %add3A_540 : i32 to vector<16xi32>
    %add3A_542 = arith.addi %xor3A_13, %add3A_541 : vector<16xi32>
    %select_n3A_543 = arith.select %lt3A_539, %add3A_542, %xor3A_13 : vector<16xi1>, vector<16xi32>
    %broadcast_in_dim3A_544 = vector.shape_cast %select_n3A_543 : vector<16xi32> to vector<16x1xi32>
    %gather3A_545 = vector.shape_cast %broadcast_in_dim3A_544 : vector<16x1xi32> to vector<16xi32>
    %gather3A_546 = tpu.dynamic_gather %max3A_536[%gather3A_545] in [0] : vector<16xf32>, vector<16xi32> -> vector<16xf32>
    %max3A_547 = arith.maximumf %max3A_536, %gather3A_546 : vector<16xf32>
    %eq3A_548 = arith.cmpf oeq, %select_n3A_503, %max3A_547 : vector<16xf32>
    %jit3A_549 = arith.constant 16 : i32
    %broadcast_in_dim3A_550 = vector.broadcast %jit3A_549 : i32 to vector<16xi32>
    %select_n3A_551 = arith.select %eq3A_548, %iota3A, %broadcast_in_dim3A_550 : vector<16xi1>, vector<16xi32>
    %lt3A_552 = arith.constant 0 : i32
    %lt3A_553 = vector.broadcast %lt3A_552 : i32 to vector<16xi32>
    %lt3A_554 = arith.cmpi slt, %xor3A_4, %lt3A_553 : vector<16xi32>
    %add3A_555 = arith.constant 16 : i32
    %add3A_556 = vector.broadcast %add3A_555 : i32 to vector<16xi32>
    %add3A_557 = arith.addi %xor3A_4, %add3A_556 : vector<16xi32>
    %select_n3A_558 = arith.select %lt3A_554, %add3A_557, %xor3A_4 : vector<16xi1>, vector<16xi32>
    %broadcast_in_dim3A_559 = vector.shape_cast %select_n3A_558 : vector<16xi32> to vector<16x1xi32>
    %gather3A_560 = vector.shape_cast %broadcast_in_dim3A_559 : vector<16x1xi32> to vector<16xi32>
    %gather3A_561 = tpu.dynamic_gather %select_n3A_551[%gather3A_560] in [0] : vector<16xi32>, vector<16xi32> -> vector<16xi32>
    %min3A_562 = arith.minsi %select_n3A_551, %gather3A_561 : vector<16xi32>
    %lt3A_563 = arith.constant 0 : i32
    %lt3A_564 = vector.broadcast %lt3A_563 : i32 to vector<16xi32>
    %lt3A_565 = arith.cmpi slt, %xor3A_7, %lt3A_564 : vector<16xi32>
    %add3A_566 = arith.constant 16 : i32
    %add3A_567 = vector.broadcast %add3A_566 : i32 to vector<16xi32>
    %add3A_568 = arith.addi %xor3A_7, %add3A_567 : vector<16xi32>
    %select_n3A_569 = arith.select %lt3A_565, %add3A_568, %xor3A_7 : vector<16xi1>, vector<16xi32>
    %broadcast_in_dim3A_570 = vector.shape_cast %select_n3A_569 : vector<16xi32> to vector<16x1xi32>
    %gather3A_571 = vector.shape_cast %broadcast_in_dim3A_570 : vector<16x1xi32> to vector<16xi32>
    %gather3A_572 = tpu.dynamic_gather %min3A_562[%gather3A_571] in [0] : vector<16xi32>, vector<16xi32> -> vector<16xi32>
    %min3A_573 = arith.minsi %min3A_562, %gather3A_572 : vector<16xi32>
    %lt3A_574 = arith.constant 0 : i32
    %lt3A_575 = vector.broadcast %lt3A_574 : i32 to vector<16xi32>
    %lt3A_576 = arith.cmpi slt, %xor3A_10, %lt3A_575 : vector<16xi32>
    %add3A_577 = arith.constant 16 : i32
    %add3A_578 = vector.broadcast %add3A_577 : i32 to vector<16xi32>
    %add3A_579 = arith.addi %xor3A_10, %add3A_578 : vector<16xi32>
    %select_n3A_580 = arith.select %lt3A_576, %add3A_579, %xor3A_10 : vector<16xi1>, vector<16xi32>
    %broadcast_in_dim3A_581 = vector.shape_cast %select_n3A_580 : vector<16xi32> to vector<16x1xi32>
    %gather3A_582 = vector.shape_cast %broadcast_in_dim3A_581 : vector<16x1xi32> to vector<16xi32>
    %gather3A_583 = tpu.dynamic_gather %min3A_573[%gather3A_582] in [0] : vector<16xi32>, vector<16xi32> -> vector<16xi32>
    %min3A_584 = arith.minsi %min3A_573, %gather3A_583 : vector<16xi32>
    %lt3A_585 = arith.constant 0 : i32
    %lt3A_586 = vector.broadcast %lt3A_585 : i32 to vector<16xi32>
    %lt3A_587 = arith.cmpi slt, %xor3A_13, %lt3A_586 : vector<16xi32>
    %add3A_588 = arith.constant 16 : i32
    %add3A_589 = vector.broadcast %add3A_588 : i32 to vector<16xi32>
    %add3A_590 = arith.addi %xor3A_13, %add3A_589 : vector<16xi32>
    %select_n3A_591 = arith.select %lt3A_587, %add3A_590, %xor3A_13 : vector<16xi1>, vector<16xi32>
    %broadcast_in_dim3A_592 = vector.shape_cast %select_n3A_591 : vector<16xi32> to vector<16x1xi32>
    %gather3A_593 = vector.shape_cast %broadcast_in_dim3A_592 : vector<16x1xi32> to vector<16xi32>
    %gather3A_594 = tpu.dynamic_gather %min3A_584[%gather3A_593] in [0] : vector<16xi32>, vector<16xi32> -> vector<16xi32>
    %min3A_595 = arith.minsi %min3A_584, %gather3A_594 : vector<16xi32>
    %add3A_596 = arith.addf %max3A_451, %max3A_547 : vector<16xf32>
    %add3A_597 = arith.constant 9.99999968E-21 : f32
    %add3A_598 = vector.broadcast %add3A_597 : f32 to vector<16xf32>
    %add3A_599 = arith.addf %add3A_596, %add3A_598 : vector<16xf32>
    %eq3A_600 = arith.cmpi eq, %iota3A, %min3A_499 : vector<16xi32>
    %div3A_601 = arith.divf %max3A_451, %add3A_599 : vector<16xf32>
    %jit3A_602 = arith.constant 0.000000e+00 : f32
    %broadcast_in_dim3A_603 = vector.broadcast %jit3A_602 : f32 to vector<16xf32>
    %select_n3A_604 = arith.select %eq3A_600, %div3A_601, %broadcast_in_dim3A_603 : vector<16xi1>, vector<16xf32>
    %eq3A_605 = arith.cmpi eq, %iota3A, %min3A_595 : vector<16xi32>
    %div3A_606 = arith.divf %max3A_547, %add3A_599 : vector<16xf32>
    %jit3A_607 = arith.constant 0.000000e+00 : f32
    %broadcast_in_dim3A_608 = vector.broadcast %jit3A_607 : f32 to vector<16xf32>
    %select_n3A_609 = arith.select %eq3A_605, %div3A_606, %broadcast_in_dim3A_608 : vector<16xi1>, vector<16xf32>
    %add3A_610 = arith.addf %select_n3A_604, %select_n3A_609 : vector<16xf32>
    %swap3A_611 = arith.constant 1 : i32
    %swap3A_612 = arith.index_cast %swap3A_611 : i32 to index
    %swap3A_613 = arith.constant 0 : index
    %swap3A_614 = tpu.vector_load %arg7[%swap3A_612, %swap3A_613] {strides = array<i32>} : memref<2x16xf32, #tpu.memory_space<vmem>>, vector<1x16xf32>,
    %swap3A_615 = vector.shape_cast %swap3A_614 : vector<1x16xf32> to vector<16xf32>
    %swap3A_616 = vector.shape_cast %add3A_610 : vector<16xf32> to vector<1x16xf32>
    tpu.vector_store %arg7[%swap3A_612, %swap3A_613], %swap3A_616 {strides = array<i32>} : memref<2x16xf32, #tpu.memory_space<vmem>>, vector<1x16xf32>,
    "tpu.region"() ({
      %run_scoped3A = tpu.sem_alloc : memref<!tpu.dma_semaphore, #tpu.memory_space<semaphore_mem>>
      %dma_start3A = arith.constant 0 : i32
      %dma_start3A_617 = tpu.memref_slice %arg4[%mul3A_2, %dma_start3A] : memref<64x16xf32, #tpu.memory_space<hbm>> -> memref<2x16xf32, #tpu.memory_space<hbm>>
      %dma_start3A_618 = arith.constant 0 : i32
      %dma_start3A_619 = tpu.memref_slice %arg4[%mul3A_2, %dma_start3A_618] : memref<64x16xf32, #tpu.memory_space<hbm>> -> memref<2x16xf32, #tpu.memory_space<hbm>>
      tpu.enqueue_dma source(%arg7 : memref<2x16xf32, #tpu.memory_space<vmem>>) target(%dma_start3A_619 : memref<2x16xf32, #tpu.memory_space<hbm>>) target_semaphore(%run_scoped3A : memref<!tpu.dma_semaphore, #tpu.memory_space<semaphore_mem>>)
      %dma_wait3A = arith.constant 0 : i32
      %dma_wait3A_620 = tpu.memref_slice %arg4[%mul3A_2, %dma_wait3A] : memref<64x16xf32, #tpu.memory_space<hbm>> -> memref<2x16xf32, #tpu.memory_space<hbm>>
      %dma_wait3A_621 = arith.constant 0 : i32
      %dma_wait3A_622 = tpu.memref_slice %arg4[%mul3A_2, %dma_wait3A_621] : memref<64x16xf32, #tpu.memory_space<hbm>> -> memref<2x16xf32, #tpu.memory_space<hbm>>
      tpu.wait_dma2 semaphore(%run_scoped3A : memref<!tpu.dma_semaphore, #tpu.memory_space<semaphore_mem>>) src(%arg7 : memref<2x16xf32, #tpu.memory_space<vmem>>) dst(%dma_wait3A_622 : memref<2x16xf32, #tpu.memory_space<hbm>>)
      tpu.yield
    }) : () -> ()
    return
  }
}

module attributes {stable_mosaic.version = 14 : i64} {
  func.func @_ffn_kernel(%arg0: memref<64x768xf32, #tpu.memory_space<vmem>>, %arg1: memref<64x16xf32, #tpu.memory_space<vmem>>, %arg2: memref<16x768x2048xf32, #tpu.memory_space<hbm>>, %arg3: memref<16x768x2048xf32, #tpu.memory_space<hbm>>, %arg4: memref<16x2048x768xf32, #tpu.memory_space<hbm>>, %arg5: memref<768x2048xf32, #tpu.memory_space<hbm>>, %arg6: memref<768x2048xf32, #tpu.memory_space<hbm>>, %arg7: memref<2048x768xf32, #tpu.memory_space<hbm>>, %arg8: memref<64x768xf32, #tpu.memory_space<vmem>>, %arg9: memref<6x768x512xf32, #tpu.memory_space<vmem>>, %arg10: memref<6x768x512xf32, #tpu.memory_space<vmem>>, %arg11: memref<6x512x768xf32, #tpu.memory_space<vmem>>, %arg12: memref<3x6x!tpu.dma_semaphore, #tpu.memory_space<semaphore_mem>>) attributes {dimension_semantics = [], scalar_prefetch = 0 : i64, scratch_operands = 4 : i64, tpu.core_type = #tpu.core_type<tc>} {
    %jit3A = arith.constant 0 : i32
    %jit3A_0 = arith.constant 4 : i32
    %div3A = arith.divsi %jit3A, %jit3A_0 : i32
    %sign3A = arith.constant 0 : i32
    %sign3A_1 = arith.cmpi sgt, %jit3A, %sign3A : i32
    %sign3A_2 = arith.extui %sign3A_1 : i1 to i32
    %sign3A_3 = arith.constant 0 : i32
    %sign3A_4 = arith.cmpi slt, %jit3A, %sign3A_3 : i32
    %sign3A_5 = arith.extui %sign3A_4 : i1 to i32
    %sign3A_6 = arith.subi %sign3A_2, %sign3A_5 : i32
    %sign3A_7 = arith.constant 0 : i32
    %sign3A_8 = arith.cmpi sgt, %jit3A_0, %sign3A_7 : i32
    %sign3A_9 = arith.extui %sign3A_8 : i1 to i32
    %sign3A_10 = arith.constant 0 : i32
    %sign3A_11 = arith.cmpi slt, %jit3A_0, %sign3A_10 : i32
    %sign3A_12 = arith.extui %sign3A_11 : i1 to i32
    %sign3A_13 = arith.subi %sign3A_9, %sign3A_12 : i32
    %ne3A = arith.cmpi ne, %sign3A_6, %sign3A_13 : i32
    %rem3A = arith.remsi %jit3A, %jit3A_0 : i32
    %ne3A_14 = arith.constant 0 : i32
    %ne3A_15 = arith.cmpi ne, %rem3A, %ne3A_14 : i32
    %and3A = arith.andi %ne3A, %ne3A_15 : i1
    %sub3A = arith.constant 1 : i32
    %sub3A_16 = arith.subi %div3A, %sub3A : i32
    %select_n3A = arith.select %and3A, %sub3A_16, %div3A : i32
    %jit3A_17 = arith.constant 0 : i32
    %jit3A_18 = arith.constant 4 : i32
    %eq3A = arith.constant 0 : i32
    %eq3A_19 = arith.cmpi eq, %jit3A_18, %eq3A : i32
    %jit3A_20 = arith.constant 1 : i32
    %select_n3A_21 = arith.select %eq3A_19, %jit3A_20, %jit3A_18 : i32
    %rem3A_22 = arith.remsi %jit3A_17, %select_n3A_21 : i32
    %ne3A_23 = arith.constant 0 : i32
    %ne3A_24 = arith.cmpi ne, %rem3A_22, %ne3A_23 : i32
    %lt3A = arith.constant 0 : i32
    %lt3A_25 = arith.cmpi slt, %rem3A_22, %lt3A : i32
    %lt3A_26 = arith.constant 0 : i32
    %lt3A_27 = arith.cmpi slt, %select_n3A_21, %lt3A_26 : i32
    %ne3A_28 = arith.xori %lt3A_25, %lt3A_27 : i1
    %and3A_29 = arith.andi %ne3A_28, %ne3A_24 : i1
    %add3A = arith.addi %rem3A_22, %select_n3A_21 : i32
    %select_n3A_30 = arith.select %and3A_29, %add3A, %rem3A_22 : i32
    %mul3A = arith.constant 512 : i32
    %mul3A_31 = arith.muli %select_n3A_30, %mul3A : i32
    %lt3A_32 = arith.constant 16 : i32
    %lt3A_33 = arith.cmpi slt, %select_n3A, %lt3A_32 : i32
    %convert_element_type3A = arith.extui %lt3A_33 : i1 to i32
    %cond3A = arith.constant 0 : i32
    %cond3A_34 = arith.constant 0 : i32
    %cond3A_35 = arith.cmpi ne, %convert_element_type3A, %cond3A_34 : i32
    scf.if %cond3A_35 {
      %dma_start3A = arith.constant 0 : i32
      %dma_start3A_273 = tpu.memref_slice %arg12[%dma_start3A, %cond3A] : memref<3x6x!tpu.dma_semaphore, #tpu.memory_space<semaphore_mem>> -> memref<1x1x!tpu.dma_semaphore, #tpu.memory_space<semaphore_mem>>
      %dma_start3A_274 = tpu.memref_squeeze %dma_start3A_273 : memref<1x1x!tpu.dma_semaphore, #tpu.memory_space<semaphore_mem>> -> memref<!tpu.dma_semaphore, #tpu.memory_space<semaphore_mem>>
      %dma_start3A_275 = arith.constant 0 : i32
      %dma_start3A_276 = arith.constant 0 : i32
      %dma_start3A_277 = tpu.memref_slice %arg9[%cond3A, %dma_start3A_275, %dma_start3A_276] : memref<6x768x512xf32, #tpu.memory_space<vmem>> -> memref<1x768x512xf32, #tpu.memory_space<vmem>>
      %dma_start3A_278 = tpu.memref_squeeze %dma_start3A_277 : memref<1x768x512xf32, #tpu.memory_space<vmem>> -> memref<768x512xf32, #tpu.memory_space<vmem>>
      %dma_start3A_279 = arith.constant 0 : i32
      %dma_start3A_280 = tpu.memref_slice %arg2[%select_n3A, %dma_start3A_279, %mul3A_31] : memref<16x768x2048xf32, #tpu.memory_space<hbm>> -> memref<1x768x512xf32, #tpu.memory_space<hbm>>
      %dma_start3A_281 = tpu.memref_squeeze %dma_start3A_280 : memref<1x768x512xf32, #tpu.memory_space<hbm>> -> memref<768x512xf32, #tpu.memory_space<hbm>>
      tpu.enqueue_dma source(%dma_start3A_281 : memref<768x512xf32, #tpu.memory_space<hbm>>) target(%dma_start3A_278 : memref<768x512xf32, #tpu.memory_space<vmem>>) target_semaphore(%dma_start3A_274 : memref<!tpu.dma_semaphore, #tpu.memory_space<semaphore_mem>>)
      %dma_start3A_282 = arith.constant 1 : i32
      %dma_start3A_283 = tpu.memref_slice %arg12[%dma_start3A_282, %cond3A] : memref<3x6x!tpu.dma_semaphore, #tpu.memory_space<semaphore_mem>> -> memref<1x1x!tpu.dma_semaphore, #tpu.memory_space<semaphore_mem>>
      %dma_start3A_284 = tpu.memref_squeeze %dma_start3A_283 : memref<1x1x!tpu.dma_semaphore, #tpu.memory_space<semaphore_mem>> -> memref<!tpu.dma_semaphore, #tpu.memory_space<semaphore_mem>>
      %dma_start3A_285 = arith.constant 0 : i32
      %dma_start3A_286 = arith.constant 0 : i32
      %dma_start3A_287 = tpu.memref_slice %arg10[%cond3A, %dma_start3A_285, %dma_start3A_286] : memref<6x768x512xf32, #tpu.memory_space<vmem>> -> memref<1x768x512xf32, #tpu.memory_space<vmem>>
      %dma_start3A_288 = tpu.memref_squeeze %dma_start3A_287 : memref<1x768x512xf32, #tpu.memory_space<vmem>> -> memref<768x512xf32, #tpu.memory_space<vmem>>
      %dma_start3A_289 = arith.constant 0 : i32
      %dma_start3A_290 = tpu.memref_slice %arg3[%select_n3A, %dma_start3A_289, %mul3A_31] : memref<16x768x2048xf32, #tpu.memory_space<hbm>> -> memref<1x768x512xf32, #tpu.memory_space<hbm>>
      %dma_start3A_291 = tpu.memref_squeeze %dma_start3A_290 : memref<1x768x512xf32, #tpu.memory_space<hbm>> -> memref<768x512xf32, #tpu.memory_space<hbm>>
      tpu.enqueue_dma source(%dma_start3A_291 : memref<768x512xf32, #tpu.memory_space<hbm>>) target(%dma_start3A_288 : memref<768x512xf32, #tpu.memory_space<vmem>>) target_semaphore(%dma_start3A_284 : memref<!tpu.dma_semaphore, #tpu.memory_space<semaphore_mem>>)
      %dma_start3A_292 = arith.constant 2 : i32
      %dma_start3A_293 = tpu.memref_slice %arg12[%dma_start3A_292, %cond3A] : memref<3x6x!tpu.dma_semaphore, #tpu.memory_space<semaphore_mem>> -> memref<1x1x!tpu.dma_semaphore, #tpu.memory_space<semaphore_mem>>
      %dma_start3A_294 = tpu.memref_squeeze %dma_start3A_293 : memref<1x1x!tpu.dma_semaphore, #tpu.memory_space<semaphore_mem>> -> memref<!tpu.dma_semaphore, #tpu.memory_space<semaphore_mem>>
      %dma_start3A_295 = arith.constant 0 : i32
      %dma_start3A_296 = arith.constant 0 : i32
      %dma_start3A_297 = tpu.memref_slice %arg11[%cond3A, %dma_start3A_295, %dma_start3A_296] : memref<6x512x768xf32, #tpu.memory_space<vmem>> -> memref<1x512x768xf32, #tpu.memory_space<vmem>>
      %dma_start3A_298 = tpu.memref_squeeze %dma_start3A_297 : memref<1x512x768xf32, #tpu.memory_space<vmem>> -> memref<512x768xf32, #tpu.memory_space<vmem>>
      %dma_start3A_299 = arith.constant 0 : i32
      %dma_start3A_300 = tpu.memref_slice %arg4[%select_n3A, %mul3A_31, %dma_start3A_299] : memref<16x2048x768xf32, #tpu.memory_space<hbm>> -> memref<1x512x768xf32, #tpu.memory_space<hbm>>
      %dma_start3A_301 = tpu.memref_squeeze %dma_start3A_300 : memref<1x512x768xf32, #tpu.memory_space<hbm>> -> memref<512x768xf32, #tpu.memory_space<hbm>>
      tpu.enqueue_dma source(%dma_start3A_301 : memref<512x768xf32, #tpu.memory_space<hbm>>) target(%dma_start3A_298 : memref<512x768xf32, #tpu.memory_space<vmem>>) target_semaphore(%dma_start3A_294 : memref<!tpu.dma_semaphore, #tpu.memory_space<semaphore_mem>>)
    } else {
    }
    %eq3A_36 = arith.constant 16 : i32
    %eq3A_37 = arith.cmpi eq, %select_n3A, %eq3A_36 : i32
    %convert_element_type3A_38 = arith.extui %eq3A_37 : i1 to i32
    %cond3A_39 = arith.constant 0 : i32
    %cond3A_40 = arith.constant 0 : i32
    %cond3A_41 = arith.cmpi ne, %convert_element_type3A_38, %cond3A_40 : i32
    scf.if %cond3A_41 {
      %dma_start3A = arith.constant 0 : i32
      %dma_start3A_273 = tpu.memref_slice %arg12[%dma_start3A, %cond3A_39] : memref<3x6x!tpu.dma_semaphore, #tpu.memory_space<semaphore_mem>> -> memref<1x1x!tpu.dma_semaphore, #tpu.memory_space<semaphore_mem>>
      %dma_start3A_274 = tpu.memref_squeeze %dma_start3A_273 : memref<1x1x!tpu.dma_semaphore, #tpu.memory_space<semaphore_mem>> -> memref<!tpu.dma_semaphore, #tpu.memory_space<semaphore_mem>>
      %dma_start3A_275 = arith.constant 0 : i32
      %dma_start3A_276 = arith.constant 0 : i32
      %dma_start3A_277 = tpu.memref_slice %arg9[%cond3A_39, %dma_start3A_275, %dma_start3A_276] : memref<6x768x512xf32, #tpu.memory_space<vmem>> -> memref<1x768x512xf32, #tpu.memory_space<vmem>>
      %dma_start3A_278 = tpu.memref_squeeze %dma_start3A_277 : memref<1x768x512xf32, #tpu.memory_space<vmem>> -> memref<768x512xf32, #tpu.memory_space<vmem>>
      %dma_start3A_279 = arith.constant 0 : i32
      %dma_start3A_280 = tpu.memref_slice %arg5[%dma_start3A_279, %mul3A_31] : memref<768x2048xf32, #tpu.memory_space<hbm>> -> memref<768x512xf32, #tpu.memory_space<hbm>>
      tpu.enqueue_dma source(%dma_start3A_280 : memref<768x512xf32, #tpu.memory_space<hbm>>) target(%dma_start3A_278 : memref<768x512xf32, #tpu.memory_space<vmem>>) target_semaphore(%dma_start3A_274 : memref<!tpu.dma_semaphore, #tpu.memory_space<semaphore_mem>>)
      %dma_start3A_281 = arith.constant 1 : i32
      %dma_start3A_282 = tpu.memref_slice %arg12[%dma_start3A_281, %cond3A_39] : memref<3x6x!tpu.dma_semaphore, #tpu.memory_space<semaphore_mem>> -> memref<1x1x!tpu.dma_semaphore, #tpu.memory_space<semaphore_mem>>
      %dma_start3A_283 = tpu.memref_squeeze %dma_start3A_282 : memref<1x1x!tpu.dma_semaphore, #tpu.memory_space<semaphore_mem>> -> memref<!tpu.dma_semaphore, #tpu.memory_space<semaphore_mem>>
      %dma_start3A_284 = arith.constant 0 : i32
      %dma_start3A_285 = arith.constant 0 : i32
      %dma_start3A_286 = tpu.memref_slice %arg10[%cond3A_39, %dma_start3A_284, %dma_start3A_285] : memref<6x768x512xf32, #tpu.memory_space<vmem>> -> memref<1x768x512xf32, #tpu.memory_space<vmem>>
      %dma_start3A_287 = tpu.memref_squeeze %dma_start3A_286 : memref<1x768x512xf32, #tpu.memory_space<vmem>> -> memref<768x512xf32, #tpu.memory_space<vmem>>
      %dma_start3A_288 = arith.constant 0 : i32
      %dma_start3A_289 = tpu.memref_slice %arg6[%dma_start3A_288, %mul3A_31] : memref<768x2048xf32, #tpu.memory_space<hbm>> -> memref<768x512xf32, #tpu.memory_space<hbm>>
      tpu.enqueue_dma source(%dma_start3A_289 : memref<768x512xf32, #tpu.memory_space<hbm>>) target(%dma_start3A_287 : memref<768x512xf32, #tpu.memory_space<vmem>>) target_semaphore(%dma_start3A_283 : memref<!tpu.dma_semaphore, #tpu.memory_space<semaphore_mem>>)
      %dma_start3A_290 = arith.constant 2 : i32
      %dma_start3A_291 = tpu.memref_slice %arg12[%dma_start3A_290, %cond3A_39] : memref<3x6x!tpu.dma_semaphore, #tpu.memory_space<semaphore_mem>> -> memref<1x1x!tpu.dma_semaphore, #tpu.memory_space<semaphore_mem>>
      %dma_start3A_292 = tpu.memref_squeeze %dma_start3A_291 : memref<1x1x!tpu.dma_semaphore, #tpu.memory_space<semaphore_mem>> -> memref<!tpu.dma_semaphore, #tpu.memory_space<semaphore_mem>>
      %dma_start3A_293 = arith.constant 0 : i32
      %dma_start3A_294 = arith.constant 0 : i32
      %dma_start3A_295 = tpu.memref_slice %arg11[%cond3A_39, %dma_start3A_293, %dma_start3A_294] : memref<6x512x768xf32, #tpu.memory_space<vmem>> -> memref<1x512x768xf32, #tpu.memory_space<vmem>>
      %dma_start3A_296 = tpu.memref_squeeze %dma_start3A_295 : memref<1x512x768xf32, #tpu.memory_space<vmem>> -> memref<512x768xf32, #tpu.memory_space<vmem>>
      %dma_start3A_297 = arith.constant 0 : i32
      %dma_start3A_298 = tpu.memref_slice %arg7[%mul3A_31, %dma_start3A_297] : memref<2048x768xf32, #tpu.memory_space<hbm>> -> memref<512x768xf32, #tpu.memory_space<hbm>>
      tpu.enqueue_dma source(%dma_start3A_298 : memref<512x768xf32, #tpu.memory_space<hbm>>) target(%dma_start3A_296 : memref<512x768xf32, #tpu.memory_space<vmem>>) target_semaphore(%dma_start3A_292 : memref<!tpu.dma_semaphore, #tpu.memory_space<semaphore_mem>>)
    } else {
    }
    %jit3A_42 = arith.constant 1 : i32
    %jit3A_43 = arith.constant 4 : i32
    %div3A_44 = arith.divsi %jit3A_42, %jit3A_43 : i32
    %sign3A_45 = arith.constant 0 : i32
    %sign3A_46 = arith.cmpi sgt, %jit3A_42, %sign3A_45 : i32
    %sign3A_47 = arith.extui %sign3A_46 : i1 to i32
    %sign3A_48 = arith.constant 0 : i32
    %sign3A_49 = arith.cmpi slt, %jit3A_42, %sign3A_48 : i32
    %sign3A_50 = arith.extui %sign3A_49 : i1 to i32
    %sign3A_51 = arith.subi %sign3A_47, %sign3A_50 : i32
    %sign3A_52 = arith.constant 0 : i32
    %sign3A_53 = arith.cmpi sgt, %jit3A_43, %sign3A_52 : i32
    %sign3A_54 = arith.extui %sign3A_53 : i1 to i32
    %sign3A_55 = arith.constant 0 : i32
    %sign3A_56 = arith.cmpi slt, %jit3A_43, %sign3A_55 : i32
    %sign3A_57 = arith.extui %sign3A_56 : i1 to i32
    %sign3A_58 = arith.subi %sign3A_54, %sign3A_57 : i32
    %ne3A_59 = arith.cmpi ne, %sign3A_51, %sign3A_58 : i32
    %rem3A_60 = arith.remsi %jit3A_42, %jit3A_43 : i32
    %ne3A_61 = arith.constant 0 : i32
    %ne3A_62 = arith.cmpi ne, %rem3A_60, %ne3A_61 : i32
    %and3A_63 = arith.andi %ne3A_59, %ne3A_62 : i1
    %sub3A_64 = arith.constant 1 : i32
    %sub3A_65 = arith.subi %div3A_44, %sub3A_64 : i32
    %select_n3A_66 = arith.select %and3A_63, %sub3A_65, %div3A_44 : i32
    %jit3A_67 = arith.constant 1 : i32
    %jit3A_68 = arith.constant 4 : i32
    %eq3A_69 = arith.constant 0 : i32
    %eq3A_70 = arith.cmpi eq, %jit3A_68, %eq3A_69 : i32
    %jit3A_71 = arith.constant 1 : i32
    %select_n3A_72 = arith.select %eq3A_70, %jit3A_71, %jit3A_68 : i32
    %rem3A_73 = arith.remsi %jit3A_67, %select_n3A_72 : i32
    %ne3A_74 = arith.constant 0 : i32
    %ne3A_75 = arith.cmpi ne, %rem3A_73, %ne3A_74 : i32
    %lt3A_76 = arith.constant 0 : i32
    %lt3A_77 = arith.cmpi slt, %rem3A_73, %lt3A_76 : i32
    %lt3A_78 = arith.constant 0 : i32
    %lt3A_79 = arith.cmpi slt, %select_n3A_72, %lt3A_78 : i32
    %ne3A_80 = arith.xori %lt3A_77, %lt3A_79 : i1
    %and3A_81 = arith.andi %ne3A_80, %ne3A_75 : i1
    %add3A_82 = arith.addi %rem3A_73, %select_n3A_72 : i32
    %select_n3A_83 = arith.select %and3A_81, %add3A_82, %rem3A_73 : i32
    %mul3A_84 = arith.constant 512 : i32
    %mul3A_85 = arith.muli %select_n3A_83, %mul3A_84 : i32
    %lt3A_86 = arith.constant 16 : i32
    %lt3A_87 = arith.cmpi slt, %select_n3A_66, %lt3A_86 : i32
    %convert_element_type3A_88 = arith.extui %lt3A_87 : i1 to i32
    %cond3A_89 = arith.constant 1 : i32
    %cond3A_90 = arith.constant 0 : i32
    %cond3A_91 = arith.cmpi ne, %convert_element_type3A_88, %cond3A_90 : i32
    scf.if %cond3A_91 {
      %dma_start3A = arith.constant 0 : i32
      %dma_start3A_273 = tpu.memref_slice %arg12[%dma_start3A, %cond3A_89] : memref<3x6x!tpu.dma_semaphore, #tpu.memory_space<semaphore_mem>> -> memref<1x1x!tpu.dma_semaphore, #tpu.memory_space<semaphore_mem>>
      %dma_start3A_274 = tpu.memref_squeeze %dma_start3A_273 : memref<1x1x!tpu.dma_semaphore, #tpu.memory_space<semaphore_mem>> -> memref<!tpu.dma_semaphore, #tpu.memory_space<semaphore_mem>>
      %dma_start3A_275 = arith.constant 0 : i32
      %dma_start3A_276 = arith.constant 0 : i32
      %dma_start3A_277 = tpu.memref_slice %arg9[%cond3A_89, %dma_start3A_275, %dma_start3A_276] : memref<6x768x512xf32, #tpu.memory_space<vmem>> -> memref<1x768x512xf32, #tpu.memory_space<vmem>>
      %dma_start3A_278 = tpu.memref_squeeze %dma_start3A_277 : memref<1x768x512xf32, #tpu.memory_space<vmem>> -> memref<768x512xf32, #tpu.memory_space<vmem>>
      %dma_start3A_279 = arith.constant 0 : i32
      %dma_start3A_280 = tpu.memref_slice %arg2[%select_n3A_66, %dma_start3A_279, %mul3A_85] : memref<16x768x2048xf32, #tpu.memory_space<hbm>> -> memref<1x768x512xf32, #tpu.memory_space<hbm>>
      %dma_start3A_281 = tpu.memref_squeeze %dma_start3A_280 : memref<1x768x512xf32, #tpu.memory_space<hbm>> -> memref<768x512xf32, #tpu.memory_space<hbm>>
      tpu.enqueue_dma source(%dma_start3A_281 : memref<768x512xf32, #tpu.memory_space<hbm>>) target(%dma_start3A_278 : memref<768x512xf32, #tpu.memory_space<vmem>>) target_semaphore(%dma_start3A_274 : memref<!tpu.dma_semaphore, #tpu.memory_space<semaphore_mem>>)
      %dma_start3A_282 = arith.constant 1 : i32
      %dma_start3A_283 = tpu.memref_slice %arg12[%dma_start3A_282, %cond3A_89] : memref<3x6x!tpu.dma_semaphore, #tpu.memory_space<semaphore_mem>> -> memref<1x1x!tpu.dma_semaphore, #tpu.memory_space<semaphore_mem>>
      %dma_start3A_284 = tpu.memref_squeeze %dma_start3A_283 : memref<1x1x!tpu.dma_semaphore, #tpu.memory_space<semaphore_mem>> -> memref<!tpu.dma_semaphore, #tpu.memory_space<semaphore_mem>>
      %dma_start3A_285 = arith.constant 0 : i32
      %dma_start3A_286 = arith.constant 0 : i32
      %dma_start3A_287 = tpu.memref_slice %arg10[%cond3A_89, %dma_start3A_285, %dma_start3A_286] : memref<6x768x512xf32, #tpu.memory_space<vmem>> -> memref<1x768x512xf32, #tpu.memory_space<vmem>>
      %dma_start3A_288 = tpu.memref_squeeze %dma_start3A_287 : memref<1x768x512xf32, #tpu.memory_space<vmem>> -> memref<768x512xf32, #tpu.memory_space<vmem>>
      %dma_start3A_289 = arith.constant 0 : i32
      %dma_start3A_290 = tpu.memref_slice %arg3[%select_n3A_66, %dma_start3A_289, %mul3A_85] : memref<16x768x2048xf32, #tpu.memory_space<hbm>> -> memref<1x768x512xf32, #tpu.memory_space<hbm>>
      %dma_start3A_291 = tpu.memref_squeeze %dma_start3A_290 : memref<1x768x512xf32, #tpu.memory_space<hbm>> -> memref<768x512xf32, #tpu.memory_space<hbm>>
      tpu.enqueue_dma source(%dma_start3A_291 : memref<768x512xf32, #tpu.memory_space<hbm>>) target(%dma_start3A_288 : memref<768x512xf32, #tpu.memory_space<vmem>>) target_semaphore(%dma_start3A_284 : memref<!tpu.dma_semaphore, #tpu.memory_space<semaphore_mem>>)
      %dma_start3A_292 = arith.constant 2 : i32
      %dma_start3A_293 = tpu.memref_slice %arg12[%dma_start3A_292, %cond3A_89] : memref<3x6x!tpu.dma_semaphore, #tpu.memory_space<semaphore_mem>> -> memref<1x1x!tpu.dma_semaphore, #tpu.memory_space<semaphore_mem>>
      %dma_start3A_294 = tpu.memref_squeeze %dma_start3A_293 : memref<1x1x!tpu.dma_semaphore, #tpu.memory_space<semaphore_mem>> -> memref<!tpu.dma_semaphore, #tpu.memory_space<semaphore_mem>>
      %dma_start3A_295 = arith.constant 0 : i32
      %dma_start3A_296 = arith.constant 0 : i32
      %dma_start3A_297 = tpu.memref_slice %arg11[%cond3A_89, %dma_start3A_295, %dma_start3A_296] : memref<6x512x768xf32, #tpu.memory_space<vmem>> -> memref<1x512x768xf32, #tpu.memory_space<vmem>>
      %dma_start3A_298 = tpu.memref_squeeze %dma_start3A_297 : memref<1x512x768xf32, #tpu.memory_space<vmem>> -> memref<512x768xf32, #tpu.memory_space<vmem>>
      %dma_start3A_299 = arith.constant 0 : i32
      %dma_start3A_300 = tpu.memref_slice %arg4[%select_n3A_66, %mul3A_85, %dma_start3A_299] : memref<16x2048x768xf32, #tpu.memory_space<hbm>> -> memref<1x512x768xf32, #tpu.memory_space<hbm>>
      %dma_start3A_301 = tpu.memref_squeeze %dma_start3A_300 : memref<1x512x768xf32, #tpu.memory_space<hbm>> -> memref<512x768xf32, #tpu.memory_space<hbm>>
      tpu.enqueue_dma source(%dma_start3A_301 : memref<512x768xf32, #tpu.memory_space<hbm>>) target(%dma_start3A_298 : memref<512x768xf32, #tpu.memory_space<vmem>>) target_semaphore(%dma_start3A_294 : memref<!tpu.dma_semaphore, #tpu.memory_space<semaphore_mem>>)
    } else {
    }
    %eq3A_92 = arith.constant 16 : i32
    %eq3A_93 = arith.cmpi eq, %select_n3A_66, %eq3A_92 : i32
    %convert_element_type3A_94 = arith.extui %eq3A_93 : i1 to i32
    %cond3A_95 = arith.constant 1 : i32
    %cond3A_96 = arith.constant 0 : i32
    %cond3A_97 = arith.cmpi ne, %convert_element_type3A_94, %cond3A_96 : i32
    scf.if %cond3A_97 {
      %dma_start3A = arith.constant 0 : i32
      %dma_start3A_273 = tpu.memref_slice %arg12[%dma_start3A, %cond3A_95] : memref<3x6x!tpu.dma_semaphore, #tpu.memory_space<semaphore_mem>> -> memref<1x1x!tpu.dma_semaphore, #tpu.memory_space<semaphore_mem>>
      %dma_start3A_274 = tpu.memref_squeeze %dma_start3A_273 : memref<1x1x!tpu.dma_semaphore, #tpu.memory_space<semaphore_mem>> -> memref<!tpu.dma_semaphore, #tpu.memory_space<semaphore_mem>>
      %dma_start3A_275 = arith.constant 0 : i32
      %dma_start3A_276 = arith.constant 0 : i32
      %dma_start3A_277 = tpu.memref_slice %arg9[%cond3A_95, %dma_start3A_275, %dma_start3A_276] : memref<6x768x512xf32, #tpu.memory_space<vmem>> -> memref<1x768x512xf32, #tpu.memory_space<vmem>>
      %dma_start3A_278 = tpu.memref_squeeze %dma_start3A_277 : memref<1x768x512xf32, #tpu.memory_space<vmem>> -> memref<768x512xf32, #tpu.memory_space<vmem>>
      %dma_start3A_279 = arith.constant 0 : i32
      %dma_start3A_280 = tpu.memref_slice %arg5[%dma_start3A_279, %mul3A_85] : memref<768x2048xf32, #tpu.memory_space<hbm>> -> memref<768x512xf32, #tpu.memory_space<hbm>>
      tpu.enqueue_dma source(%dma_start3A_280 : memref<768x512xf32, #tpu.memory_space<hbm>>) target(%dma_start3A_278 : memref<768x512xf32, #tpu.memory_space<vmem>>) target_semaphore(%dma_start3A_274 : memref<!tpu.dma_semaphore, #tpu.memory_space<semaphore_mem>>)
      %dma_start3A_281 = arith.constant 1 : i32
      %dma_start3A_282 = tpu.memref_slice %arg12[%dma_start3A_281, %cond3A_95] : memref<3x6x!tpu.dma_semaphore, #tpu.memory_space<semaphore_mem>> -> memref<1x1x!tpu.dma_semaphore, #tpu.memory_space<semaphore_mem>>
      %dma_start3A_283 = tpu.memref_squeeze %dma_start3A_282 : memref<1x1x!tpu.dma_semaphore, #tpu.memory_space<semaphore_mem>> -> memref<!tpu.dma_semaphore, #tpu.memory_space<semaphore_mem>>
      %dma_start3A_284 = arith.constant 0 : i32
      %dma_start3A_285 = arith.constant 0 : i32
      %dma_start3A_286 = tpu.memref_slice %arg10[%cond3A_95, %dma_start3A_284, %dma_start3A_285] : memref<6x768x512xf32, #tpu.memory_space<vmem>> -> memref<1x768x512xf32, #tpu.memory_space<vmem>>
      %dma_start3A_287 = tpu.memref_squeeze %dma_start3A_286 : memref<1x768x512xf32, #tpu.memory_space<vmem>> -> memref<768x512xf32, #tpu.memory_space<vmem>>
      %dma_start3A_288 = arith.constant 0 : i32
      %dma_start3A_289 = tpu.memref_slice %arg6[%dma_start3A_288, %mul3A_85] : memref<768x2048xf32, #tpu.memory_space<hbm>> -> memref<768x512xf32, #tpu.memory_space<hbm>>
      tpu.enqueue_dma source(%dma_start3A_289 : memref<768x512xf32, #tpu.memory_space<hbm>>) target(%dma_start3A_287 : memref<768x512xf32, #tpu.memory_space<vmem>>) target_semaphore(%dma_start3A_283 : memref<!tpu.dma_semaphore, #tpu.memory_space<semaphore_mem>>)
      %dma_start3A_290 = arith.constant 2 : i32
      %dma_start3A_291 = tpu.memref_slice %arg12[%dma_start3A_290, %cond3A_95] : memref<3x6x!tpu.dma_semaphore, #tpu.memory_space<semaphore_mem>> -> memref<1x1x!tpu.dma_semaphore, #tpu.memory_space<semaphore_mem>>
      %dma_start3A_292 = tpu.memref_squeeze %dma_start3A_291 : memref<1x1x!tpu.dma_semaphore, #tpu.memory_space<semaphore_mem>> -> memref<!tpu.dma_semaphore, #tpu.memory_space<semaphore_mem>>
      %dma_start3A_293 = arith.constant 0 : i32
      %dma_start3A_294 = arith.constant 0 : i32
      %dma_start3A_295 = tpu.memref_slice %arg11[%cond3A_95, %dma_start3A_293, %dma_start3A_294] : memref<6x512x768xf32, #tpu.memory_space<vmem>> -> memref<1x512x768xf32, #tpu.memory_space<vmem>>
      %dma_start3A_296 = tpu.memref_squeeze %dma_start3A_295 : memref<1x512x768xf32, #tpu.memory_space<vmem>> -> memref<512x768xf32, #tpu.memory_space<vmem>>
      %dma_start3A_297 = arith.constant 0 : i32
      %dma_start3A_298 = tpu.memref_slice %arg7[%mul3A_85, %dma_start3A_297] : memref<2048x768xf32, #tpu.memory_space<hbm>> -> memref<512x768xf32, #tpu.memory_space<hbm>>
      tpu.enqueue_dma source(%dma_start3A_298 : memref<512x768xf32, #tpu.memory_space<hbm>>) target(%dma_start3A_296 : memref<512x768xf32, #tpu.memory_space<vmem>>) target_semaphore(%dma_start3A_292 : memref<!tpu.dma_semaphore, #tpu.memory_space<semaphore_mem>>)
    } else {
    }
    %jit3A_98 = arith.constant 2 : i32
    %jit3A_99 = arith.constant 4 : i32
    %div3A_100 = arith.divsi %jit3A_98, %jit3A_99 : i32
    %sign3A_101 = arith.constant 0 : i32
    %sign3A_102 = arith.cmpi sgt, %jit3A_98, %sign3A_101 : i32
    %sign3A_103 = arith.extui %sign3A_102 : i1 to i32
    %sign3A_104 = arith.constant 0 : i32
    %sign3A_105 = arith.cmpi slt, %jit3A_98, %sign3A_104 : i32
    %sign3A_106 = arith.extui %sign3A_105 : i1 to i32
    %sign3A_107 = arith.subi %sign3A_103, %sign3A_106 : i32
    %sign3A_108 = arith.constant 0 : i32
    %sign3A_109 = arith.cmpi sgt, %jit3A_99, %sign3A_108 : i32
    %sign3A_110 = arith.extui %sign3A_109 : i1 to i32
    %sign3A_111 = arith.constant 0 : i32
    %sign3A_112 = arith.cmpi slt, %jit3A_99, %sign3A_111 : i32
    %sign3A_113 = arith.extui %sign3A_112 : i1 to i32
    %sign3A_114 = arith.subi %sign3A_110, %sign3A_113 : i32
    %ne3A_115 = arith.cmpi ne, %sign3A_107, %sign3A_114 : i32
    %rem3A_116 = arith.remsi %jit3A_98, %jit3A_99 : i32
    %ne3A_117 = arith.constant 0 : i32
    %ne3A_118 = arith.cmpi ne, %rem3A_116, %ne3A_117 : i32
    %and3A_119 = arith.andi %ne3A_115, %ne3A_118 : i1
    %sub3A_120 = arith.constant 1 : i32
    %sub3A_121 = arith.subi %div3A_100, %sub3A_120 : i32
    %select_n3A_122 = arith.select %and3A_119, %sub3A_121, %div3A_100 : i32
    %jit3A_123 = arith.constant 2 : i32
    %jit3A_124 = arith.constant 4 : i32
    %eq3A_125 = arith.constant 0 : i32
    %eq3A_126 = arith.cmpi eq, %jit3A_124, %eq3A_125 : i32
    %jit3A_127 = arith.constant 1 : i32
    %select_n3A_128 = arith.select %eq3A_126, %jit3A_127, %jit3A_124 : i32
    %rem3A_129 = arith.remsi %jit3A_123, %select_n3A_128 : i32
    %ne3A_130 = arith.constant 0 : i32
    %ne3A_131 = arith.cmpi ne, %rem3A_129, %ne3A_130 : i32
    %lt3A_132 = arith.constant 0 : i32
    %lt3A_133 = arith.cmpi slt, %rem3A_129, %lt3A_132 : i32
    %lt3A_134 = arith.constant 0 : i32
    %lt3A_135 = arith.cmpi slt, %select_n3A_128, %lt3A_134 : i32
    %ne3A_136 = arith.xori %lt3A_133, %lt3A_135 : i1
    %and3A_137 = arith.andi %ne3A_136, %ne3A_131 : i1
    %add3A_138 = arith.addi %rem3A_129, %select_n3A_128 : i32
    %select_n3A_139 = arith.select %and3A_137, %add3A_138, %rem3A_129 : i32
    %mul3A_140 = arith.constant 512 : i32
    %mul3A_141 = arith.muli %select_n3A_139, %mul3A_140 : i32
    %lt3A_142 = arith.constant 16 : i32
    %lt3A_143 = arith.cmpi slt, %select_n3A_122, %lt3A_142 : i32
    %convert_element_type3A_144 = arith.extui %lt3A_143 : i1 to i32
    %cond3A_145 = arith.constant 2 : i32
    %cond3A_146 = arith.constant 0 : i32
    %cond3A_147 = arith.cmpi ne, %convert_element_type3A_144, %cond3A_146 : i32
    scf.if %cond3A_147 {
      %dma_start3A = arith.constant 0 : i32
      %dma_start3A_273 = tpu.memref_slice %arg12[%dma_start3A, %cond3A_145] : memref<3x6x!tpu.dma_semaphore, #tpu.memory_space<semaphore_mem>> -> memref<1x1x!tpu.dma_semaphore, #tpu.memory_space<semaphore_mem>>
      %dma_start3A_274 = tpu.memref_squeeze %dma_start3A_273 : memref<1x1x!tpu.dma_semaphore, #tpu.memory_space<semaphore_mem>> -> memref<!tpu.dma_semaphore, #tpu.memory_space<semaphore_mem>>
      %dma_start3A_275 = arith.constant 0 : i32
      %dma_start3A_276 = arith.constant 0 : i32
      %dma_start3A_277 = tpu.memref_slice %arg9[%cond3A_145, %dma_start3A_275, %dma_start3A_276] : memref<6x768x512xf32, #tpu.memory_space<vmem>> -> memref<1x768x512xf32, #tpu.memory_space<vmem>>
      %dma_start3A_278 = tpu.memref_squeeze %dma_start3A_277 : memref<1x768x512xf32, #tpu.memory_space<vmem>> -> memref<768x512xf32, #tpu.memory_space<vmem>>
      %dma_start3A_279 = arith.constant 0 : i32
      %dma_start3A_280 = tpu.memref_slice %arg2[%select_n3A_122, %dma_start3A_279, %mul3A_141] : memref<16x768x2048xf32, #tpu.memory_space<hbm>> -> memref<1x768x512xf32, #tpu.memory_space<hbm>>
      %dma_start3A_281 = tpu.memref_squeeze %dma_start3A_280 : memref<1x768x512xf32, #tpu.memory_space<hbm>> -> memref<768x512xf32, #tpu.memory_space<hbm>>
      tpu.enqueue_dma source(%dma_start3A_281 : memref<768x512xf32, #tpu.memory_space<hbm>>) target(%dma_start3A_278 : memref<768x512xf32, #tpu.memory_space<vmem>>) target_semaphore(%dma_start3A_274 : memref<!tpu.dma_semaphore, #tpu.memory_space<semaphore_mem>>)
      %dma_start3A_282 = arith.constant 1 : i32
      %dma_start3A_283 = tpu.memref_slice %arg12[%dma_start3A_282, %cond3A_145] : memref<3x6x!tpu.dma_semaphore, #tpu.memory_space<semaphore_mem>> -> memref<1x1x!tpu.dma_semaphore, #tpu.memory_space<semaphore_mem>>
      %dma_start3A_284 = tpu.memref_squeeze %dma_start3A_283 : memref<1x1x!tpu.dma_semaphore, #tpu.memory_space<semaphore_mem>> -> memref<!tpu.dma_semaphore, #tpu.memory_space<semaphore_mem>>
      %dma_start3A_285 = arith.constant 0 : i32
      %dma_start3A_286 = arith.constant 0 : i32
      %dma_start3A_287 = tpu.memref_slice %arg10[%cond3A_145, %dma_start3A_285, %dma_start3A_286] : memref<6x768x512xf32, #tpu.memory_space<vmem>> -> memref<1x768x512xf32, #tpu.memory_space<vmem>>
      %dma_start3A_288 = tpu.memref_squeeze %dma_start3A_287 : memref<1x768x512xf32, #tpu.memory_space<vmem>> -> memref<768x512xf32, #tpu.memory_space<vmem>>
      %dma_start3A_289 = arith.constant 0 : i32
      %dma_start3A_290 = tpu.memref_slice %arg3[%select_n3A_122, %dma_start3A_289, %mul3A_141] : memref<16x768x2048xf32, #tpu.memory_space<hbm>> -> memref<1x768x512xf32, #tpu.memory_space<hbm>>
      %dma_start3A_291 = tpu.memref_squeeze %dma_start3A_290 : memref<1x768x512xf32, #tpu.memory_space<hbm>> -> memref<768x512xf32, #tpu.memory_space<hbm>>
      tpu.enqueue_dma source(%dma_start3A_291 : memref<768x512xf32, #tpu.memory_space<hbm>>) target(%dma_start3A_288 : memref<768x512xf32, #tpu.memory_space<vmem>>) target_semaphore(%dma_start3A_284 : memref<!tpu.dma_semaphore, #tpu.memory_space<semaphore_mem>>)
      %dma_start3A_292 = arith.constant 2 : i32
      %dma_start3A_293 = tpu.memref_slice %arg12[%dma_start3A_292, %cond3A_145] : memref<3x6x!tpu.dma_semaphore, #tpu.memory_space<semaphore_mem>> -> memref<1x1x!tpu.dma_semaphore, #tpu.memory_space<semaphore_mem>>
      %dma_start3A_294 = tpu.memref_squeeze %dma_start3A_293 : memref<1x1x!tpu.dma_semaphore, #tpu.memory_space<semaphore_mem>> -> memref<!tpu.dma_semaphore, #tpu.memory_space<semaphore_mem>>
      %dma_start3A_295 = arith.constant 0 : i32
      %dma_start3A_296 = arith.constant 0 : i32
      %dma_start3A_297 = tpu.memref_slice %arg11[%cond3A_145, %dma_start3A_295, %dma_start3A_296] : memref<6x512x768xf32, #tpu.memory_space<vmem>> -> memref<1x512x768xf32, #tpu.memory_space<vmem>>
      %dma_start3A_298 = tpu.memref_squeeze %dma_start3A_297 : memref<1x512x768xf32, #tpu.memory_space<vmem>> -> memref<512x768xf32, #tpu.memory_space<vmem>>
      %dma_start3A_299 = arith.constant 0 : i32
      %dma_start3A_300 = tpu.memref_slice %arg4[%select_n3A_122, %mul3A_141, %dma_start3A_299] : memref<16x2048x768xf32, #tpu.memory_space<hbm>> -> memref<1x512x768xf32, #tpu.memory_space<hbm>>
      %dma_start3A_301 = tpu.memref_squeeze %dma_start3A_300 : memref<1x512x768xf32, #tpu.memory_space<hbm>> -> memref<512x768xf32, #tpu.memory_space<hbm>>
      tpu.enqueue_dma source(%dma_start3A_301 : memref<512x768xf32, #tpu.memory_space<hbm>>) target(%dma_start3A_298 : memref<512x768xf32, #tpu.memory_space<vmem>>) target_semaphore(%dma_start3A_294 : memref<!tpu.dma_semaphore, #tpu.memory_space<semaphore_mem>>)
    } else {
    }
    %eq3A_148 = arith.constant 16 : i32
    %eq3A_149 = arith.cmpi eq, %select_n3A_122, %eq3A_148 : i32
    %convert_element_type3A_150 = arith.extui %eq3A_149 : i1 to i32
    %cond3A_151 = arith.constant 2 : i32
    %cond3A_152 = arith.constant 0 : i32
    %cond3A_153 = arith.cmpi ne, %convert_element_type3A_150, %cond3A_152 : i32
    scf.if %cond3A_153 {
      %dma_start3A = arith.constant 0 : i32
      %dma_start3A_273 = tpu.memref_slice %arg12[%dma_start3A, %cond3A_151] : memref<3x6x!tpu.dma_semaphore, #tpu.memory_space<semaphore_mem>> -> memref<1x1x!tpu.dma_semaphore, #tpu.memory_space<semaphore_mem>>
      %dma_start3A_274 = tpu.memref_squeeze %dma_start3A_273 : memref<1x1x!tpu.dma_semaphore, #tpu.memory_space<semaphore_mem>> -> memref<!tpu.dma_semaphore, #tpu.memory_space<semaphore_mem>>
      %dma_start3A_275 = arith.constant 0 : i32
      %dma_start3A_276 = arith.constant 0 : i32
      %dma_start3A_277 = tpu.memref_slice %arg9[%cond3A_151, %dma_start3A_275, %dma_start3A_276] : memref<6x768x512xf32, #tpu.memory_space<vmem>> -> memref<1x768x512xf32, #tpu.memory_space<vmem>>
      %dma_start3A_278 = tpu.memref_squeeze %dma_start3A_277 : memref<1x768x512xf32, #tpu.memory_space<vmem>> -> memref<768x512xf32, #tpu.memory_space<vmem>>
      %dma_start3A_279 = arith.constant 0 : i32
      %dma_start3A_280 = tpu.memref_slice %arg5[%dma_start3A_279, %mul3A_141] : memref<768x2048xf32, #tpu.memory_space<hbm>> -> memref<768x512xf32, #tpu.memory_space<hbm>>
      tpu.enqueue_dma source(%dma_start3A_280 : memref<768x512xf32, #tpu.memory_space<hbm>>) target(%dma_start3A_278 : memref<768x512xf32, #tpu.memory_space<vmem>>) target_semaphore(%dma_start3A_274 : memref<!tpu.dma_semaphore, #tpu.memory_space<semaphore_mem>>)
      %dma_start3A_281 = arith.constant 1 : i32
      %dma_start3A_282 = tpu.memref_slice %arg12[%dma_start3A_281, %cond3A_151] : memref<3x6x!tpu.dma_semaphore, #tpu.memory_space<semaphore_mem>> -> memref<1x1x!tpu.dma_semaphore, #tpu.memory_space<semaphore_mem>>
      %dma_start3A_283 = tpu.memref_squeeze %dma_start3A_282 : memref<1x1x!tpu.dma_semaphore, #tpu.memory_space<semaphore_mem>> -> memref<!tpu.dma_semaphore, #tpu.memory_space<semaphore_mem>>
      %dma_start3A_284 = arith.constant 0 : i32
      %dma_start3A_285 = arith.constant 0 : i32
      %dma_start3A_286 = tpu.memref_slice %arg10[%cond3A_151, %dma_start3A_284, %dma_start3A_285] : memref<6x768x512xf32, #tpu.memory_space<vmem>> -> memref<1x768x512xf32, #tpu.memory_space<vmem>>
      %dma_start3A_287 = tpu.memref_squeeze %dma_start3A_286 : memref<1x768x512xf32, #tpu.memory_space<vmem>> -> memref<768x512xf32, #tpu.memory_space<vmem>>
      %dma_start3A_288 = arith.constant 0 : i32
      %dma_start3A_289 = tpu.memref_slice %arg6[%dma_start3A_288, %mul3A_141] : memref<768x2048xf32, #tpu.memory_space<hbm>> -> memref<768x512xf32, #tpu.memory_space<hbm>>
      tpu.enqueue_dma source(%dma_start3A_289 : memref<768x512xf32, #tpu.memory_space<hbm>>) target(%dma_start3A_287 : memref<768x512xf32, #tpu.memory_space<vmem>>) target_semaphore(%dma_start3A_283 : memref<!tpu.dma_semaphore, #tpu.memory_space<semaphore_mem>>)
      %dma_start3A_290 = arith.constant 2 : i32
      %dma_start3A_291 = tpu.memref_slice %arg12[%dma_start3A_290, %cond3A_151] : memref<3x6x!tpu.dma_semaphore, #tpu.memory_space<semaphore_mem>> -> memref<1x1x!tpu.dma_semaphore, #tpu.memory_space<semaphore_mem>>
      %dma_start3A_292 = tpu.memref_squeeze %dma_start3A_291 : memref<1x1x!tpu.dma_semaphore, #tpu.memory_space<semaphore_mem>> -> memref<!tpu.dma_semaphore, #tpu.memory_space<semaphore_mem>>
      %dma_start3A_293 = arith.constant 0 : i32
      %dma_start3A_294 = arith.constant 0 : i32
      %dma_start3A_295 = tpu.memref_slice %arg11[%cond3A_151, %dma_start3A_293, %dma_start3A_294] : memref<6x512x768xf32, #tpu.memory_space<vmem>> -> memref<1x512x768xf32, #tpu.memory_space<vmem>>
      %dma_start3A_296 = tpu.memref_squeeze %dma_start3A_295 : memref<1x512x768xf32, #tpu.memory_space<vmem>> -> memref<512x768xf32, #tpu.memory_space<vmem>>
      %dma_start3A_297 = arith.constant 0 : i32
      %dma_start3A_298 = tpu.memref_slice %arg7[%mul3A_141, %dma_start3A_297] : memref<2048x768xf32, #tpu.memory_space<hbm>> -> memref<512x768xf32, #tpu.memory_space<hbm>>
      tpu.enqueue_dma source(%dma_start3A_298 : memref<512x768xf32, #tpu.memory_space<hbm>>) target(%dma_start3A_296 : memref<512x768xf32, #tpu.memory_space<vmem>>) target_semaphore(%dma_start3A_292 : memref<!tpu.dma_semaphore, #tpu.memory_space<semaphore_mem>>)
    } else {
    }
    %jit3A_154 = arith.constant 3 : i32
    %jit3A_155 = arith.constant 4 : i32
    %div3A_156 = arith.divsi %jit3A_154, %jit3A_155 : i32
    %sign3A_157 = arith.constant 0 : i32
    %sign3A_158 = arith.cmpi sgt, %jit3A_154, %sign3A_157 : i32
    %sign3A_159 = arith.extui %sign3A_158 : i1 to i32
    %sign3A_160 = arith.constant 0 : i32
    %sign3A_161 = arith.cmpi slt, %jit3A_154, %sign3A_160 : i32
    %sign3A_162 = arith.extui %sign3A_161 : i1 to i32
    %sign3A_163 = arith.subi %sign3A_159, %sign3A_162 : i32
    %sign3A_164 = arith.constant 0 : i32
    %sign3A_165 = arith.cmpi sgt, %jit3A_155, %sign3A_164 : i32
    %sign3A_166 = arith.extui %sign3A_165 : i1 to i32
    %sign3A_167 = arith.constant 0 : i32
    %sign3A_168 = arith.cmpi slt, %jit3A_155, %sign3A_167 : i32
    %sign3A_169 = arith.extui %sign3A_168 : i1 to i32
    %sign3A_170 = arith.subi %sign3A_166, %sign3A_169 : i32
    %ne3A_171 = arith.cmpi ne, %sign3A_163, %sign3A_170 : i32
    %rem3A_172 = arith.remsi %jit3A_154, %jit3A_155 : i32
    %ne3A_173 = arith.constant 0 : i32
    %ne3A_174 = arith.cmpi ne, %rem3A_172, %ne3A_173 : i32
    %and3A_175 = arith.andi %ne3A_171, %ne3A_174 : i1
    %sub3A_176 = arith.constant 1 : i32
    %sub3A_177 = arith.subi %div3A_156, %sub3A_176 : i32
    %select_n3A_178 = arith.select %and3A_175, %sub3A_177, %div3A_156 : i32
    %jit3A_179 = arith.constant 3 : i32
    %jit3A_180 = arith.constant 4 : i32
    %eq3A_181 = arith.constant 0 : i32
    %eq3A_182 = arith.cmpi eq, %jit3A_180, %eq3A_181 : i32
    %jit3A_183 = arith.constant 1 : i32
    %select_n3A_184 = arith.select %eq3A_182, %jit3A_183, %jit3A_180 : i32
    %rem3A_185 = arith.remsi %jit3A_179, %select_n3A_184 : i32
    %ne3A_186 = arith.constant 0 : i32
    %ne3A_187 = arith.cmpi ne, %rem3A_185, %ne3A_186 : i32
    %lt3A_188 = arith.constant 0 : i32
    %lt3A_189 = arith.cmpi slt, %rem3A_185, %lt3A_188 : i32
    %lt3A_190 = arith.constant 0 : i32
    %lt3A_191 = arith.cmpi slt, %select_n3A_184, %lt3A_190 : i32
    %ne3A_192 = arith.xori %lt3A_189, %lt3A_191 : i1
    %and3A_193 = arith.andi %ne3A_192, %ne3A_187 : i1
    %add3A_194 = arith.addi %rem3A_185, %select_n3A_184 : i32
    %select_n3A_195 = arith.select %and3A_193, %add3A_194, %rem3A_185 : i32
    %mul3A_196 = arith.constant 512 : i32
    %mul3A_197 = arith.muli %select_n3A_195, %mul3A_196 : i32
    %lt3A_198 = arith.constant 16 : i32
    %lt3A_199 = arith.cmpi slt, %select_n3A_178, %lt3A_198 : i32
    %convert_element_type3A_200 = arith.extui %lt3A_199 : i1 to i32
    %cond3A_201 = arith.constant 3 : i32
    %cond3A_202 = arith.constant 0 : i32
    %cond3A_203 = arith.cmpi ne, %convert_element_type3A_200, %cond3A_202 : i32
    scf.if %cond3A_203 {
      %dma_start3A = arith.constant 0 : i32
      %dma_start3A_273 = tpu.memref_slice %arg12[%dma_start3A, %cond3A_201] : memref<3x6x!tpu.dma_semaphore, #tpu.memory_space<semaphore_mem>> -> memref<1x1x!tpu.dma_semaphore, #tpu.memory_space<semaphore_mem>>
      %dma_start3A_274 = tpu.memref_squeeze %dma_start3A_273 : memref<1x1x!tpu.dma_semaphore, #tpu.memory_space<semaphore_mem>> -> memref<!tpu.dma_semaphore, #tpu.memory_space<semaphore_mem>>
      %dma_start3A_275 = arith.constant 0 : i32
      %dma_start3A_276 = arith.constant 0 : i32
      %dma_start3A_277 = tpu.memref_slice %arg9[%cond3A_201, %dma_start3A_275, %dma_start3A_276] : memref<6x768x512xf32, #tpu.memory_space<vmem>> -> memref<1x768x512xf32, #tpu.memory_space<vmem>>
      %dma_start3A_278 = tpu.memref_squeeze %dma_start3A_277 : memref<1x768x512xf32, #tpu.memory_space<vmem>> -> memref<768x512xf32, #tpu.memory_space<vmem>>
      %dma_start3A_279 = arith.constant 0 : i32
      %dma_start3A_280 = tpu.memref_slice %arg2[%select_n3A_178, %dma_start3A_279, %mul3A_197] : memref<16x768x2048xf32, #tpu.memory_space<hbm>> -> memref<1x768x512xf32, #tpu.memory_space<hbm>>
      %dma_start3A_281 = tpu.memref_squeeze %dma_start3A_280 : memref<1x768x512xf32, #tpu.memory_space<hbm>> -> memref<768x512xf32, #tpu.memory_space<hbm>>
      tpu.enqueue_dma source(%dma_start3A_281 : memref<768x512xf32, #tpu.memory_space<hbm>>) target(%dma_start3A_278 : memref<768x512xf32, #tpu.memory_space<vmem>>) target_semaphore(%dma_start3A_274 : memref<!tpu.dma_semaphore, #tpu.memory_space<semaphore_mem>>)
      %dma_start3A_282 = arith.constant 1 : i32
      %dma_start3A_283 = tpu.memref_slice %arg12[%dma_start3A_282, %cond3A_201] : memref<3x6x!tpu.dma_semaphore, #tpu.memory_space<semaphore_mem>> -> memref<1x1x!tpu.dma_semaphore, #tpu.memory_space<semaphore_mem>>
      %dma_start3A_284 = tpu.memref_squeeze %dma_start3A_283 : memref<1x1x!tpu.dma_semaphore, #tpu.memory_space<semaphore_mem>> -> memref<!tpu.dma_semaphore, #tpu.memory_space<semaphore_mem>>
      %dma_start3A_285 = arith.constant 0 : i32
      %dma_start3A_286 = arith.constant 0 : i32
      %dma_start3A_287 = tpu.memref_slice %arg10[%cond3A_201, %dma_start3A_285, %dma_start3A_286] : memref<6x768x512xf32, #tpu.memory_space<vmem>> -> memref<1x768x512xf32, #tpu.memory_space<vmem>>
      %dma_start3A_288 = tpu.memref_squeeze %dma_start3A_287 : memref<1x768x512xf32, #tpu.memory_space<vmem>> -> memref<768x512xf32, #tpu.memory_space<vmem>>
      %dma_start3A_289 = arith.constant 0 : i32
      %dma_start3A_290 = tpu.memref_slice %arg3[%select_n3A_178, %dma_start3A_289, %mul3A_197] : memref<16x768x2048xf32, #tpu.memory_space<hbm>> -> memref<1x768x512xf32, #tpu.memory_space<hbm>>
      %dma_start3A_291 = tpu.memref_squeeze %dma_start3A_290 : memref<1x768x512xf32, #tpu.memory_space<hbm>> -> memref<768x512xf32, #tpu.memory_space<hbm>>
      tpu.enqueue_dma source(%dma_start3A_291 : memref<768x512xf32, #tpu.memory_space<hbm>>) target(%dma_start3A_288 : memref<768x512xf32, #tpu.memory_space<vmem>>) target_semaphore(%dma_start3A_284 : memref<!tpu.dma_semaphore, #tpu.memory_space<semaphore_mem>>)
      %dma_start3A_292 = arith.constant 2 : i32
      %dma_start3A_293 = tpu.memref_slice %arg12[%dma_start3A_292, %cond3A_201] : memref<3x6x!tpu.dma_semaphore, #tpu.memory_space<semaphore_mem>> -> memref<1x1x!tpu.dma_semaphore, #tpu.memory_space<semaphore_mem>>
      %dma_start3A_294 = tpu.memref_squeeze %dma_start3A_293 : memref<1x1x!tpu.dma_semaphore, #tpu.memory_space<semaphore_mem>> -> memref<!tpu.dma_semaphore, #tpu.memory_space<semaphore_mem>>
      %dma_start3A_295 = arith.constant 0 : i32
      %dma_start3A_296 = arith.constant 0 : i32
      %dma_start3A_297 = tpu.memref_slice %arg11[%cond3A_201, %dma_start3A_295, %dma_start3A_296] : memref<6x512x768xf32, #tpu.memory_space<vmem>> -> memref<1x512x768xf32, #tpu.memory_space<vmem>>
      %dma_start3A_298 = tpu.memref_squeeze %dma_start3A_297 : memref<1x512x768xf32, #tpu.memory_space<vmem>> -> memref<512x768xf32, #tpu.memory_space<vmem>>
      %dma_start3A_299 = arith.constant 0 : i32
      %dma_start3A_300 = tpu.memref_slice %arg4[%select_n3A_178, %mul3A_197, %dma_start3A_299] : memref<16x2048x768xf32, #tpu.memory_space<hbm>> -> memref<1x512x768xf32, #tpu.memory_space<hbm>>
      %dma_start3A_301 = tpu.memref_squeeze %dma_start3A_300 : memref<1x512x768xf32, #tpu.memory_space<hbm>> -> memref<512x768xf32, #tpu.memory_space<hbm>>
      tpu.enqueue_dma source(%dma_start3A_301 : memref<512x768xf32, #tpu.memory_space<hbm>>) target(%dma_start3A_298 : memref<512x768xf32, #tpu.memory_space<vmem>>) target_semaphore(%dma_start3A_294 : memref<!tpu.dma_semaphore, #tpu.memory_space<semaphore_mem>>)
    } else {
    }
    %eq3A_204 = arith.constant 16 : i32
    %eq3A_205 = arith.cmpi eq, %select_n3A_178, %eq3A_204 : i32
    %convert_element_type3A_206 = arith.extui %eq3A_205 : i1 to i32
    %cond3A_207 = arith.constant 3 : i32
    %cond3A_208 = arith.constant 0 : i32
    %cond3A_209 = arith.cmpi ne, %convert_element_type3A_206, %cond3A_208 : i32
    scf.if %cond3A_209 {
      %dma_start3A = arith.constant 0 : i32
      %dma_start3A_273 = tpu.memref_slice %arg12[%dma_start3A, %cond3A_207] : memref<3x6x!tpu.dma_semaphore, #tpu.memory_space<semaphore_mem>> -> memref<1x1x!tpu.dma_semaphore, #tpu.memory_space<semaphore_mem>>
      %dma_start3A_274 = tpu.memref_squeeze %dma_start3A_273 : memref<1x1x!tpu.dma_semaphore, #tpu.memory_space<semaphore_mem>> -> memref<!tpu.dma_semaphore, #tpu.memory_space<semaphore_mem>>
      %dma_start3A_275 = arith.constant 0 : i32
      %dma_start3A_276 = arith.constant 0 : i32
      %dma_start3A_277 = tpu.memref_slice %arg9[%cond3A_207, %dma_start3A_275, %dma_start3A_276] : memref<6x768x512xf32, #tpu.memory_space<vmem>> -> memref<1x768x512xf32, #tpu.memory_space<vmem>>
      %dma_start3A_278 = tpu.memref_squeeze %dma_start3A_277 : memref<1x768x512xf32, #tpu.memory_space<vmem>> -> memref<768x512xf32, #tpu.memory_space<vmem>>
      %dma_start3A_279 = arith.constant 0 : i32
      %dma_start3A_280 = tpu.memref_slice %arg5[%dma_start3A_279, %mul3A_197] : memref<768x2048xf32, #tpu.memory_space<hbm>> -> memref<768x512xf32, #tpu.memory_space<hbm>>
      tpu.enqueue_dma source(%dma_start3A_280 : memref<768x512xf32, #tpu.memory_space<hbm>>) target(%dma_start3A_278 : memref<768x512xf32, #tpu.memory_space<vmem>>) target_semaphore(%dma_start3A_274 : memref<!tpu.dma_semaphore, #tpu.memory_space<semaphore_mem>>)
      %dma_start3A_281 = arith.constant 1 : i32
      %dma_start3A_282 = tpu.memref_slice %arg12[%dma_start3A_281, %cond3A_207] : memref<3x6x!tpu.dma_semaphore, #tpu.memory_space<semaphore_mem>> -> memref<1x1x!tpu.dma_semaphore, #tpu.memory_space<semaphore_mem>>
      %dma_start3A_283 = tpu.memref_squeeze %dma_start3A_282 : memref<1x1x!tpu.dma_semaphore, #tpu.memory_space<semaphore_mem>> -> memref<!tpu.dma_semaphore, #tpu.memory_space<semaphore_mem>>
      %dma_start3A_284 = arith.constant 0 : i32
      %dma_start3A_285 = arith.constant 0 : i32
      %dma_start3A_286 = tpu.memref_slice %arg10[%cond3A_207, %dma_start3A_284, %dma_start3A_285] : memref<6x768x512xf32, #tpu.memory_space<vmem>> -> memref<1x768x512xf32, #tpu.memory_space<vmem>>
      %dma_start3A_287 = tpu.memref_squeeze %dma_start3A_286 : memref<1x768x512xf32, #tpu.memory_space<vmem>> -> memref<768x512xf32, #tpu.memory_space<vmem>>
      %dma_start3A_288 = arith.constant 0 : i32
      %dma_start3A_289 = tpu.memref_slice %arg6[%dma_start3A_288, %mul3A_197] : memref<768x2048xf32, #tpu.memory_space<hbm>> -> memref<768x512xf32, #tpu.memory_space<hbm>>
      tpu.enqueue_dma source(%dma_start3A_289 : memref<768x512xf32, #tpu.memory_space<hbm>>) target(%dma_start3A_287 : memref<768x512xf32, #tpu.memory_space<vmem>>) target_semaphore(%dma_start3A_283 : memref<!tpu.dma_semaphore, #tpu.memory_space<semaphore_mem>>)
      %dma_start3A_290 = arith.constant 2 : i32
      %dma_start3A_291 = tpu.memref_slice %arg12[%dma_start3A_290, %cond3A_207] : memref<3x6x!tpu.dma_semaphore, #tpu.memory_space<semaphore_mem>> -> memref<1x1x!tpu.dma_semaphore, #tpu.memory_space<semaphore_mem>>
      %dma_start3A_292 = tpu.memref_squeeze %dma_start3A_291 : memref<1x1x!tpu.dma_semaphore, #tpu.memory_space<semaphore_mem>> -> memref<!tpu.dma_semaphore, #tpu.memory_space<semaphore_mem>>
      %dma_start3A_293 = arith.constant 0 : i32
      %dma_start3A_294 = arith.constant 0 : i32
      %dma_start3A_295 = tpu.memref_slice %arg11[%cond3A_207, %dma_start3A_293, %dma_start3A_294] : memref<6x512x768xf32, #tpu.memory_space<vmem>> -> memref<1x512x768xf32, #tpu.memory_space<vmem>>
      %dma_start3A_296 = tpu.memref_squeeze %dma_start3A_295 : memref<1x512x768xf32, #tpu.memory_space<vmem>> -> memref<512x768xf32, #tpu.memory_space<vmem>>
      %dma_start3A_297 = arith.constant 0 : i32
      %dma_start3A_298 = tpu.memref_slice %arg7[%mul3A_197, %dma_start3A_297] : memref<2048x768xf32, #tpu.memory_space<hbm>> -> memref<512x768xf32, #tpu.memory_space<hbm>>
      tpu.enqueue_dma source(%dma_start3A_298 : memref<512x768xf32, #tpu.memory_space<hbm>>) target(%dma_start3A_296 : memref<512x768xf32, #tpu.memory_space<vmem>>) target_semaphore(%dma_start3A_292 : memref<!tpu.dma_semaphore, #tpu.memory_space<semaphore_mem>>)
    } else {
    }
    %jit3A_210 = arith.constant 4 : i32
    %jit3A_211 = arith.constant 4 : i32
    %div3A_212 = arith.divsi %jit3A_210, %jit3A_211 : i32
    %sign3A_213 = arith.constant 0 : i32
    %sign3A_214 = arith.cmpi sgt, %jit3A_210, %sign3A_213 : i32
    %sign3A_215 = arith.extui %sign3A_214 : i1 to i32
    %sign3A_216 = arith.constant 0 : i32
    %sign3A_217 = arith.cmpi slt, %jit3A_210, %sign3A_216 : i32
    %sign3A_218 = arith.extui %sign3A_217 : i1 to i32
    %sign3A_219 = arith.subi %sign3A_215, %sign3A_218 : i32
    %sign3A_220 = arith.constant 0 : i32
    %sign3A_221 = arith.cmpi sgt, %jit3A_211, %sign3A_220 : i32
    %sign3A_222 = arith.extui %sign3A_221 : i1 to i32
    %sign3A_223 = arith.constant 0 : i32
    %sign3A_224 = arith.cmpi slt, %jit3A_211, %sign3A_223 : i32
    %sign3A_225 = arith.extui %sign3A_224 : i1 to i32
    %sign3A_226 = arith.subi %sign3A_222, %sign3A_225 : i32
    %ne3A_227 = arith.cmpi ne, %sign3A_219, %sign3A_226 : i32
    %rem3A_228 = arith.remsi %jit3A_210, %jit3A_211 : i32
    %ne3A_229 = arith.constant 0 : i32
    %ne3A_230 = arith.cmpi ne, %rem3A_228, %ne3A_229 : i32
    %and3A_231 = arith.andi %ne3A_227, %ne3A_230 : i1
    %sub3A_232 = arith.constant 1 : i32
    %sub3A_233 = arith.subi %div3A_212, %sub3A_232 : i32
    %select_n3A_234 = arith.select %and3A_231, %sub3A_233, %div3A_212 : i32
    %jit3A_235 = arith.constant 4 : i32
    %jit3A_236 = arith.constant 4 : i32
    %eq3A_237 = arith.constant 0 : i32
    %eq3A_238 = arith.cmpi eq, %jit3A_236, %eq3A_237 : i32
    %jit3A_239 = arith.constant 1 : i32
    %select_n3A_240 = arith.select %eq3A_238, %jit3A_239, %jit3A_236 : i32
    %rem3A_241 = arith.remsi %jit3A_235, %select_n3A_240 : i32
    %ne3A_242 = arith.constant 0 : i32
    %ne3A_243 = arith.cmpi ne, %rem3A_241, %ne3A_242 : i32
    %lt3A_244 = arith.constant 0 : i32
    %lt3A_245 = arith.cmpi slt, %rem3A_241, %lt3A_244 : i32
    %lt3A_246 = arith.constant 0 : i32
    %lt3A_247 = arith.cmpi slt, %select_n3A_240, %lt3A_246 : i32
    %ne3A_248 = arith.xori %lt3A_245, %lt3A_247 : i1
    %and3A_249 = arith.andi %ne3A_248, %ne3A_243 : i1
    %add3A_250 = arith.addi %rem3A_241, %select_n3A_240 : i32
    %select_n3A_251 = arith.select %and3A_249, %add3A_250, %rem3A_241 : i32
    %mul3A_252 = arith.constant 512 : i32
    %mul3A_253 = arith.muli %select_n3A_251, %mul3A_252 : i32
    %lt3A_254 = arith.constant 16 : i32
    %lt3A_255 = arith.cmpi slt, %select_n3A_234, %lt3A_254 : i32
    %convert_element_type3A_256 = arith.extui %lt3A_255 : i1 to i32
    %cond3A_257 = arith.constant 4 : i32
    %cond3A_258 = arith.constant 0 : i32
    %cond3A_259 = arith.cmpi ne, %convert_element_type3A_256, %cond3A_258 : i32
    scf.if %cond3A_259 {
      %dma_start3A = arith.constant 0 : i32
      %dma_start3A_273 = tpu.memref_slice %arg12[%dma_start3A, %cond3A_257] : memref<3x6x!tpu.dma_semaphore, #tpu.memory_space<semaphore_mem>> -> memref<1x1x!tpu.dma_semaphore, #tpu.memory_space<semaphore_mem>>
      %dma_start3A_274 = tpu.memref_squeeze %dma_start3A_273 : memref<1x1x!tpu.dma_semaphore, #tpu.memory_space<semaphore_mem>> -> memref<!tpu.dma_semaphore, #tpu.memory_space<semaphore_mem>>
      %dma_start3A_275 = arith.constant 0 : i32
      %dma_start3A_276 = arith.constant 0 : i32
      %dma_start3A_277 = tpu.memref_slice %arg9[%cond3A_257, %dma_start3A_275, %dma_start3A_276] : memref<6x768x512xf32, #tpu.memory_space<vmem>> -> memref<1x768x512xf32, #tpu.memory_space<vmem>>
      %dma_start3A_278 = tpu.memref_squeeze %dma_start3A_277 : memref<1x768x512xf32, #tpu.memory_space<vmem>> -> memref<768x512xf32, #tpu.memory_space<vmem>>
      %dma_start3A_279 = arith.constant 0 : i32
      %dma_start3A_280 = tpu.memref_slice %arg2[%select_n3A_234, %dma_start3A_279, %mul3A_253] : memref<16x768x2048xf32, #tpu.memory_space<hbm>> -> memref<1x768x512xf32, #tpu.memory_space<hbm>>
      %dma_start3A_281 = tpu.memref_squeeze %dma_start3A_280 : memref<1x768x512xf32, #tpu.memory_space<hbm>> -> memref<768x512xf32, #tpu.memory_space<hbm>>
      tpu.enqueue_dma source(%dma_start3A_281 : memref<768x512xf32, #tpu.memory_space<hbm>>) target(%dma_start3A_278 : memref<768x512xf32, #tpu.memory_space<vmem>>) target_semaphore(%dma_start3A_274 : memref<!tpu.dma_semaphore, #tpu.memory_space<semaphore_mem>>)
      %dma_start3A_282 = arith.constant 1 : i32
      %dma_start3A_283 = tpu.memref_slice %arg12[%dma_start3A_282, %cond3A_257] : memref<3x6x!tpu.dma_semaphore, #tpu.memory_space<semaphore_mem>> -> memref<1x1x!tpu.dma_semaphore, #tpu.memory_space<semaphore_mem>>
      %dma_start3A_284 = tpu.memref_squeeze %dma_start3A_283 : memref<1x1x!tpu.dma_semaphore, #tpu.memory_space<semaphore_mem>> -> memref<!tpu.dma_semaphore, #tpu.memory_space<semaphore_mem>>
      %dma_start3A_285 = arith.constant 0 : i32
      %dma_start3A_286 = arith.constant 0 : i32
      %dma_start3A_287 = tpu.memref_slice %arg10[%cond3A_257, %dma_start3A_285, %dma_start3A_286] : memref<6x768x512xf32, #tpu.memory_space<vmem>> -> memref<1x768x512xf32, #tpu.memory_space<vmem>>
      %dma_start3A_288 = tpu.memref_squeeze %dma_start3A_287 : memref<1x768x512xf32, #tpu.memory_space<vmem>> -> memref<768x512xf32, #tpu.memory_space<vmem>>
      %dma_start3A_289 = arith.constant 0 : i32
      %dma_start3A_290 = tpu.memref_slice %arg3[%select_n3A_234, %dma_start3A_289, %mul3A_253] : memref<16x768x2048xf32, #tpu.memory_space<hbm>> -> memref<1x768x512xf32, #tpu.memory_space<hbm>>
      %dma_start3A_291 = tpu.memref_squeeze %dma_start3A_290 : memref<1x768x512xf32, #tpu.memory_space<hbm>> -> memref<768x512xf32, #tpu.memory_space<hbm>>
      tpu.enqueue_dma source(%dma_start3A_291 : memref<768x512xf32, #tpu.memory_space<hbm>>) target(%dma_start3A_288 : memref<768x512xf32, #tpu.memory_space<vmem>>) target_semaphore(%dma_start3A_284 : memref<!tpu.dma_semaphore, #tpu.memory_space<semaphore_mem>>)
      %dma_start3A_292 = arith.constant 2 : i32
      %dma_start3A_293 = tpu.memref_slice %arg12[%dma_start3A_292, %cond3A_257] : memref<3x6x!tpu.dma_semaphore, #tpu.memory_space<semaphore_mem>> -> memref<1x1x!tpu.dma_semaphore, #tpu.memory_space<semaphore_mem>>
      %dma_start3A_294 = tpu.memref_squeeze %dma_start3A_293 : memref<1x1x!tpu.dma_semaphore, #tpu.memory_space<semaphore_mem>> -> memref<!tpu.dma_semaphore, #tpu.memory_space<semaphore_mem>>
      %dma_start3A_295 = arith.constant 0 : i32
      %dma_start3A_296 = arith.constant 0 : i32
      %dma_start3A_297 = tpu.memref_slice %arg11[%cond3A_257, %dma_start3A_295, %dma_start3A_296] : memref<6x512x768xf32, #tpu.memory_space<vmem>> -> memref<1x512x768xf32, #tpu.memory_space<vmem>>
      %dma_start3A_298 = tpu.memref_squeeze %dma_start3A_297 : memref<1x512x768xf32, #tpu.memory_space<vmem>> -> memref<512x768xf32, #tpu.memory_space<vmem>>
      %dma_start3A_299 = arith.constant 0 : i32
      %dma_start3A_300 = tpu.memref_slice %arg4[%select_n3A_234, %mul3A_253, %dma_start3A_299] : memref<16x2048x768xf32, #tpu.memory_space<hbm>> -> memref<1x512x768xf32, #tpu.memory_space<hbm>>
      %dma_start3A_301 = tpu.memref_squeeze %dma_start3A_300 : memref<1x512x768xf32, #tpu.memory_space<hbm>> -> memref<512x768xf32, #tpu.memory_space<hbm>>
      tpu.enqueue_dma source(%dma_start3A_301 : memref<512x768xf32, #tpu.memory_space<hbm>>) target(%dma_start3A_298 : memref<512x768xf32, #tpu.memory_space<vmem>>) target_semaphore(%dma_start3A_294 : memref<!tpu.dma_semaphore, #tpu.memory_space<semaphore_mem>>)
    } else {
    }
    %eq3A_260 = arith.constant 16 : i32
    %eq3A_261 = arith.cmpi eq, %select_n3A_234, %eq3A_260 : i32
    %convert_element_type3A_262 = arith.extui %eq3A_261 : i1 to i32
    %cond3A_263 = arith.constant 4 : i32
    %cond3A_264 = arith.constant 0 : i32
    %cond3A_265 = arith.cmpi ne, %convert_element_type3A_262, %cond3A_264 : i32
    scf.if %cond3A_265 {
      %dma_start3A = arith.constant 0 : i32
      %dma_start3A_273 = tpu.memref_slice %arg12[%dma_start3A, %cond3A_263] : memref<3x6x!tpu.dma_semaphore, #tpu.memory_space<semaphore_mem>> -> memref<1x1x!tpu.dma_semaphore, #tpu.memory_space<semaphore_mem>>
      %dma_start3A_274 = tpu.memref_squeeze %dma_start3A_273 : memref<1x1x!tpu.dma_semaphore, #tpu.memory_space<semaphore_mem>> -> memref<!tpu.dma_semaphore, #tpu.memory_space<semaphore_mem>>
      %dma_start3A_275 = arith.constant 0 : i32
      %dma_start3A_276 = arith.constant 0 : i32
      %dma_start3A_277 = tpu.memref_slice %arg9[%cond3A_263, %dma_start3A_275, %dma_start3A_276] : memref<6x768x512xf32, #tpu.memory_space<vmem>> -> memref<1x768x512xf32, #tpu.memory_space<vmem>>
      %dma_start3A_278 = tpu.memref_squeeze %dma_start3A_277 : memref<1x768x512xf32, #tpu.memory_space<vmem>> -> memref<768x512xf32, #tpu.memory_space<vmem>>
      %dma_start3A_279 = arith.constant 0 : i32
      %dma_start3A_280 = tpu.memref_slice %arg5[%dma_start3A_279, %mul3A_253] : memref<768x2048xf32, #tpu.memory_space<hbm>> -> memref<768x512xf32, #tpu.memory_space<hbm>>
      tpu.enqueue_dma source(%dma_start3A_280 : memref<768x512xf32, #tpu.memory_space<hbm>>) target(%dma_start3A_278 : memref<768x512xf32, #tpu.memory_space<vmem>>) target_semaphore(%dma_start3A_274 : memref<!tpu.dma_semaphore, #tpu.memory_space<semaphore_mem>>)
      %dma_start3A_281 = arith.constant 1 : i32
      %dma_start3A_282 = tpu.memref_slice %arg12[%dma_start3A_281, %cond3A_263] : memref<3x6x!tpu.dma_semaphore, #tpu.memory_space<semaphore_mem>> -> memref<1x1x!tpu.dma_semaphore, #tpu.memory_space<semaphore_mem>>
      %dma_start3A_283 = tpu.memref_squeeze %dma_start3A_282 : memref<1x1x!tpu.dma_semaphore, #tpu.memory_space<semaphore_mem>> -> memref<!tpu.dma_semaphore, #tpu.memory_space<semaphore_mem>>
      %dma_start3A_284 = arith.constant 0 : i32
      %dma_start3A_285 = arith.constant 0 : i32
      %dma_start3A_286 = tpu.memref_slice %arg10[%cond3A_263, %dma_start3A_284, %dma_start3A_285] : memref<6x768x512xf32, #tpu.memory_space<vmem>> -> memref<1x768x512xf32, #tpu.memory_space<vmem>>
      %dma_start3A_287 = tpu.memref_squeeze %dma_start3A_286 : memref<1x768x512xf32, #tpu.memory_space<vmem>> -> memref<768x512xf32, #tpu.memory_space<vmem>>
      %dma_start3A_288 = arith.constant 0 : i32
      %dma_start3A_289 = tpu.memref_slice %arg6[%dma_start3A_288, %mul3A_253] : memref<768x2048xf32, #tpu.memory_space<hbm>> -> memref<768x512xf32, #tpu.memory_space<hbm>>
      tpu.enqueue_dma source(%dma_start3A_289 : memref<768x512xf32, #tpu.memory_space<hbm>>) target(%dma_start3A_287 : memref<768x512xf32, #tpu.memory_space<vmem>>) target_semaphore(%dma_start3A_283 : memref<!tpu.dma_semaphore, #tpu.memory_space<semaphore_mem>>)
      %dma_start3A_290 = arith.constant 2 : i32
      %dma_start3A_291 = tpu.memref_slice %arg12[%dma_start3A_290, %cond3A_263] : memref<3x6x!tpu.dma_semaphore, #tpu.memory_space<semaphore_mem>> -> memref<1x1x!tpu.dma_semaphore, #tpu.memory_space<semaphore_mem>>
      %dma_start3A_292 = tpu.memref_squeeze %dma_start3A_291 : memref<1x1x!tpu.dma_semaphore, #tpu.memory_space<semaphore_mem>> -> memref<!tpu.dma_semaphore, #tpu.memory_space<semaphore_mem>>
      %dma_start3A_293 = arith.constant 0 : i32
      %dma_start3A_294 = arith.constant 0 : i32
      %dma_start3A_295 = tpu.memref_slice %arg11[%cond3A_263, %dma_start3A_293, %dma_start3A_294] : memref<6x512x768xf32, #tpu.memory_space<vmem>> -> memref<1x512x768xf32, #tpu.memory_space<vmem>>
      %dma_start3A_296 = tpu.memref_squeeze %dma_start3A_295 : memref<1x512x768xf32, #tpu.memory_space<vmem>> -> memref<512x768xf32, #tpu.memory_space<vmem>>
      %dma_start3A_297 = arith.constant 0 : i32
      %dma_start3A_298 = tpu.memref_slice %arg7[%mul3A_253, %dma_start3A_297] : memref<2048x768xf32, #tpu.memory_space<hbm>> -> memref<512x768xf32, #tpu.memory_space<hbm>>
      tpu.enqueue_dma source(%dma_start3A_298 : memref<512x768xf32, #tpu.memory_space<hbm>>) target(%dma_start3A_296 : memref<512x768xf32, #tpu.memory_space<vmem>>) target_semaphore(%dma_start3A_292 : memref<!tpu.dma_semaphore, #tpu.memory_space<semaphore_mem>>)
    } else {
    }
    %broadcast_in_dim3A = arith.constant 0.000000e+00 : f32
    %broadcast_in_dim3A_266 = vector.broadcast %broadcast_in_dim3A : f32 to vector<64x768xf32>
    %swap3A = arith.constant 0 : index
    %swap3A_267 = arith.constant 0 : index
    %swap3A_268 = vector.load %arg8[%swap3A, %swap3A_267] : memref<64x768xf32, #tpu.memory_space<vmem>>, vector<64x768xf32>
    tpu.vector_store %arg8[%swap3A, %swap3A_267], %broadcast_in_dim3A_266 {strides = array<i32>} : memref<64x768xf32, #tpu.memory_space<vmem>>, vector<64x768xf32>,
    %scan3A = arith.constant 0 : i32
    %scan3A_269 = arith.constant 68 : i32
    %scan3A_270 = arith.addi %scan3A, %scan3A_269 : i32
    %scan3A_271 = arith.constant 1 : i32
    scf.for %scan3A_273 = %scan3A to %scan3A_270 step %scan3A_271  : i32 {
      %rem3A_274 = arith.constant 6 : i32
      %rem3A_275 = arith.remsi %scan3A_273, %rem3A_274 : i32
      %add3A_276 = arith.constant 6 : i32
      %add3A_277 = arith.addi %scan3A_273, %add3A_276 : i32
      %sub3A_278 = arith.constant 1 : i32
      %sub3A_279 = arith.subi %add3A_277, %sub3A_278 : i32
      %jit3A_280 = arith.constant 4 : i32
      %div3A_281 = arith.divsi %scan3A_273, %jit3A_280 : i32
      %sign3A_282 = arith.constant 0 : i32
      %sign3A_283 = arith.cmpi sgt, %scan3A_273, %sign3A_282 : i32
      %sign3A_284 = arith.extui %sign3A_283 : i1 to i32
      %sign3A_285 = arith.constant 0 : i32
      %sign3A_286 = arith.cmpi slt, %scan3A_273, %sign3A_285 : i32
      %sign3A_287 = arith.extui %sign3A_286 : i1 to i32
      %sign3A_288 = arith.subi %sign3A_284, %sign3A_287 : i32
      %sign3A_289 = arith.constant 0 : i32
      %sign3A_290 = arith.cmpi sgt, %jit3A_280, %sign3A_289 : i32
      %sign3A_291 = arith.extui %sign3A_290 : i1 to i32
      %sign3A_292 = arith.constant 0 : i32
      %sign3A_293 = arith.cmpi slt, %jit3A_280, %sign3A_292 : i32
      %sign3A_294 = arith.extui %sign3A_293 : i1 to i32
      %sign3A_295 = arith.subi %sign3A_291, %sign3A_294 : i32
      %ne3A_296 = arith.cmpi ne, %sign3A_288, %sign3A_295 : i32
      %rem3A_297 = arith.remsi %scan3A_273, %jit3A_280 : i32
      %ne3A_298 = arith.constant 0 : i32
      %ne3A_299 = arith.cmpi ne, %rem3A_297, %ne3A_298 : i32
      %and3A_300 = arith.andi %ne3A_296, %ne3A_299 : i1
      %sub3A_301 = arith.constant 1 : i32
      %sub3A_302 = arith.subi %div3A_281, %sub3A_301 : i32
      %select_n3A_303 = arith.select %and3A_300, %sub3A_302, %div3A_281 : i32
      %get3A = arith.constant 0 : index
      %get3A_304 = arith.constant 0 : index
      %get3A_305 = vector.load %arg0[%get3A, %get3A_304] : memref<64x768xf32, #tpu.memory_space<vmem>>, vector<64x768xf32>
      %convert_element_type3A_306 = arith.truncf %get3A_305 : vector<64x768xf32> to vector<64x768xbf16>
      %dma_wait3A = arith.constant 0 : i32
      %dma_wait3A_307 = arith.constant 0 : i32
      %dma_wait3A_308 = tpu.memref_slice %arg12[%dma_wait3A_307, %rem3A_275] : memref<3x6x!tpu.dma_semaphore, #tpu.memory_space<semaphore_mem>> -> memref<1x1x!tpu.dma_semaphore, #tpu.memory_space<semaphore_mem>>
      %dma_wait3A_309 = tpu.memref_squeeze %dma_wait3A_308 : memref<1x1x!tpu.dma_semaphore, #tpu.memory_space<semaphore_mem>> -> memref<!tpu.dma_semaphore, #tpu.memory_space<semaphore_mem>>
      %dma_wait3A_310 = arith.constant 0 : i32
      %dma_wait3A_311 = arith.constant 0 : i32
      %dma_wait3A_312 = tpu.memref_slice %arg9[%rem3A_275, %dma_wait3A_310, %dma_wait3A_311] : memref<6x768x512xf32, #tpu.memory_space<vmem>> -> memref<1x768x512xf32, #tpu.memory_space<vmem>>
      %dma_wait3A_313 = tpu.memref_squeeze %dma_wait3A_312 : memref<1x768x512xf32, #tpu.memory_space<vmem>> -> memref<768x512xf32, #tpu.memory_space<vmem>>
      %dma_wait3A_314 = arith.constant 0 : i32
      %dma_wait3A_315 = arith.constant 0 : i32
      %dma_wait3A_316 = tpu.memref_slice %arg2[%dma_wait3A, %dma_wait3A_314, %dma_wait3A_315] : memref<16x768x2048xf32, #tpu.memory_space<hbm>> -> memref<1x768x512xf32, #tpu.memory_space<hbm>>
      %dma_wait3A_317 = tpu.memref_squeeze %dma_wait3A_316 : memref<1x768x512xf32, #tpu.memory_space<hbm>> -> memref<768x512xf32, #tpu.memory_space<hbm>>
      tpu.wait_dma2 semaphore(%dma_wait3A_309 : memref<!tpu.dma_semaphore, #tpu.memory_space<semaphore_mem>>) src(%dma_wait3A_317 : memref<768x512xf32, #tpu.memory_space<hbm>>) dst(%dma_wait3A_313 : memref<768x512xf32, #tpu.memory_space<vmem>>)
      %get3A_318 = arith.index_cast %rem3A_275 : i32 to index
      %get3A_319 = arith.constant 0 : index
      %get3A_320 = arith.constant 0 : index
      %get3A_321 = vector.load %arg9[%get3A_318, %get3A_319, %get3A_320] : memref<6x768x512xf32, #tpu.memory_space<vmem>>, vector<1x768x512xf32>
      %get3A_322 = vector.shape_cast %get3A_321 : vector<1x768x512xf32> to vector<768x512xf32>
      %convert_element_type3A_323 = arith.truncf %get3A_322 : vector<768x512xf32> to vector<768x512xbf16>
      %dot_general3A = arith.constant dense<0.000000e+00> : vector<64x512xf32>
      %dot_general3A_324 = tpu.matmul %convert_element_type3A_306, %convert_element_type3A_323, %dot_general3A {dimension_numbers = #tpu.dot_dimension_numbers<[1], [0], [0], [1], [0, 0, 1, 1], [], []>, transpose_lhs_hint = false} : vector<64x768xbf16>, vector<768x512xbf16>, vector<64x512xf32> -> vector<64x512xf32>
      %dma_wait3A_325 = arith.constant 0 : i32
      %dma_wait3A_326 = arith.constant 1 : i32
      %dma_wait3A_327 = tpu.memref_slice %arg12[%dma_wait3A_326, %rem3A_275] : memref<3x6x!tpu.dma_semaphore, #tpu.memory_space<semaphore_mem>> -> memref<1x1x!tpu.dma_semaphore, #tpu.memory_space<semaphore_mem>>
      %dma_wait3A_328 = tpu.memref_squeeze %dma_wait3A_327 : memref<1x1x!tpu.dma_semaphore, #tpu.memory_space<semaphore_mem>> -> memref<!tpu.dma_semaphore, #tpu.memory_space<semaphore_mem>>
      %dma_wait3A_329 = arith.constant 0 : i32
      %dma_wait3A_330 = arith.constant 0 : i32
      %dma_wait3A_331 = tpu.memref_slice %arg10[%rem3A_275, %dma_wait3A_329, %dma_wait3A_330] : memref<6x768x512xf32, #tpu.memory_space<vmem>> -> memref<1x768x512xf32, #tpu.memory_space<vmem>>
      %dma_wait3A_332 = tpu.memref_squeeze %dma_wait3A_331 : memref<1x768x512xf32, #tpu.memory_space<vmem>> -> memref<768x512xf32, #tpu.memory_space<vmem>>
      %dma_wait3A_333 = arith.constant 0 : i32
      %dma_wait3A_334 = arith.constant 0 : i32
      %dma_wait3A_335 = tpu.memref_slice %arg3[%dma_wait3A_325, %dma_wait3A_333, %dma_wait3A_334] : memref<16x768x2048xf32, #tpu.memory_space<hbm>> -> memref<1x768x512xf32, #tpu.memory_space<hbm>>
      %dma_wait3A_336 = tpu.memref_squeeze %dma_wait3A_335 : memref<1x768x512xf32, #tpu.memory_space<hbm>> -> memref<768x512xf32, #tpu.memory_space<hbm>>
      tpu.wait_dma2 semaphore(%dma_wait3A_328 : memref<!tpu.dma_semaphore, #tpu.memory_space<semaphore_mem>>) src(%dma_wait3A_336 : memref<768x512xf32, #tpu.memory_space<hbm>>) dst(%dma_wait3A_332 : memref<768x512xf32, #tpu.memory_space<vmem>>)
      %get3A_337 = arith.index_cast %rem3A_275 : i32 to index
      %get3A_338 = arith.constant 0 : index
      %get3A_339 = arith.constant 0 : index
      %get3A_340 = vector.load %arg10[%get3A_337, %get3A_338, %get3A_339] : memref<6x768x512xf32, #tpu.memory_space<vmem>>, vector<1x768x512xf32>
      %get3A_341 = vector.shape_cast %get3A_340 : vector<1x768x512xf32> to vector<768x512xf32>
      %convert_element_type3A_342 = arith.truncf %get3A_341 : vector<768x512xf32> to vector<768x512xbf16>
      %dot_general3A_343 = arith.constant dense<0.000000e+00> : vector<64x512xf32>
      %dot_general3A_344 = tpu.matmul %convert_element_type3A_306, %convert_element_type3A_342, %dot_general3A_343 {dimension_numbers = #tpu.dot_dimension_numbers<[1], [0], [0], [1], [0, 0, 1, 1], [], []>, transpose_lhs_hint = false} : vector<64x768xbf16>, vector<768x512xbf16>, vector<64x512xf32> -> vector<64x512xf32>
      %logistic3A = arith.negf %dot_general3A_324 : vector<64x512xf32>
      %logistic3A_345 = math.exp %logistic3A : vector<64x512xf32>
      %logistic3A_346 = arith.constant 1.000000e+00 : f32
      %logistic3A_347 = vector.broadcast %logistic3A_346 : f32 to vector<64x512xf32>
      %logistic3A_348 = arith.addf %logistic3A_347, %logistic3A_345 : vector<64x512xf32>
      %logistic3A_349 = arith.divf %logistic3A_347, %logistic3A_348 : vector<64x512xf32>
      %mul3A_350 = arith.mulf %dot_general3A_324, %logistic3A_349 : vector<64x512xf32>
      %mul3A_351 = arith.mulf %mul3A_350, %dot_general3A_344 : vector<64x512xf32>
      %dma_wait3A_352 = arith.constant 0 : i32
      %dma_wait3A_353 = arith.constant 2 : i32
      %dma_wait3A_354 = tpu.memref_slice %arg12[%dma_wait3A_353, %rem3A_275] : memref<3x6x!tpu.dma_semaphore, #tpu.memory_space<semaphore_mem>> -> memref<1x1x!tpu.dma_semaphore, #tpu.memory_space<semaphore_mem>>
      %dma_wait3A_355 = tpu.memref_squeeze %dma_wait3A_354 : memref<1x1x!tpu.dma_semaphore, #tpu.memory_space<semaphore_mem>> -> memref<!tpu.dma_semaphore, #tpu.memory_space<semaphore_mem>>
      %dma_wait3A_356 = arith.constant 0 : i32
      %dma_wait3A_357 = arith.constant 0 : i32
      %dma_wait3A_358 = tpu.memref_slice %arg11[%rem3A_275, %dma_wait3A_356, %dma_wait3A_357] : memref<6x512x768xf32, #tpu.memory_space<vmem>> -> memref<1x512x768xf32, #tpu.memory_space<vmem>>
      %dma_wait3A_359 = tpu.memref_squeeze %dma_wait3A_358 : memref<1x512x768xf32, #tpu.memory_space<vmem>> -> memref<512x768xf32, #tpu.memory_space<vmem>>
      %dma_wait3A_360 = arith.constant 0 : i32
      %dma_wait3A_361 = arith.constant 0 : i32
      %dma_wait3A_362 = tpu.memref_slice %arg4[%dma_wait3A_352, %dma_wait3A_360, %dma_wait3A_361] : memref<16x2048x768xf32, #tpu.memory_space<hbm>> -> memref<1x512x768xf32, #tpu.memory_space<hbm>>
      %dma_wait3A_363 = tpu.memref_squeeze %dma_wait3A_362 : memref<1x512x768xf32, #tpu.memory_space<hbm>> -> memref<512x768xf32, #tpu.memory_space<hbm>>
      tpu.wait_dma2 semaphore(%dma_wait3A_355 : memref<!tpu.dma_semaphore, #tpu.memory_space<semaphore_mem>>) src(%dma_wait3A_363 : memref<512x768xf32, #tpu.memory_space<hbm>>) dst(%dma_wait3A_359 : memref<512x768xf32, #tpu.memory_space<vmem>>)
      %lt3A_364 = arith.constant 68 : i32
      %lt3A_365 = arith.cmpi slt, %sub3A_279, %lt3A_364 : i32
      %convert_element_type3A_366 = arith.extui %lt3A_365 : i1 to i32
      %cond3A_367 = arith.constant 0 : i32
      %cond3A_368 = arith.cmpi ne, %convert_element_type3A_366, %cond3A_367 : i32
      scf.if %cond3A_368 {
        %rem3A_404 = arith.constant 6 : i32
        %rem3A_405 = arith.remsi %sub3A_279, %rem3A_404 : i32
        %jit3A_406 = arith.constant 4 : i32
        %div3A_407 = arith.divsi %sub3A_279, %jit3A_406 : i32
        %sign3A_408 = arith.constant 0 : i32
        %sign3A_409 = arith.cmpi sgt, %sub3A_279, %sign3A_408 : i32
        %sign3A_410 = arith.extui %sign3A_409 : i1 to i32
        %sign3A_411 = arith.constant 0 : i32
        %sign3A_412 = arith.cmpi slt, %sub3A_279, %sign3A_411 : i32
        %sign3A_413 = arith.extui %sign3A_412 : i1 to i32
        %sign3A_414 = arith.subi %sign3A_410, %sign3A_413 : i32
        %sign3A_415 = arith.constant 0 : i32
        %sign3A_416 = arith.cmpi sgt, %jit3A_406, %sign3A_415 : i32
        %sign3A_417 = arith.extui %sign3A_416 : i1 to i32
        %sign3A_418 = arith.constant 0 : i32
        %sign3A_419 = arith.cmpi slt, %jit3A_406, %sign3A_418 : i32
        %sign3A_420 = arith.extui %sign3A_419 : i1 to i32
        %sign3A_421 = arith.subi %sign3A_417, %sign3A_420 : i32
        %ne3A_422 = arith.cmpi ne, %sign3A_414, %sign3A_421 : i32
        %rem3A_423 = arith.remsi %sub3A_279, %jit3A_406 : i32
        %ne3A_424 = arith.constant 0 : i32
        %ne3A_425 = arith.cmpi ne, %rem3A_423, %ne3A_424 : i32
        %and3A_426 = arith.andi %ne3A_422, %ne3A_425 : i1
        %sub3A_427 = arith.constant 1 : i32
        %sub3A_428 = arith.subi %div3A_407, %sub3A_427 : i32
        %select_n3A_429 = arith.select %and3A_426, %sub3A_428, %div3A_407 : i32
        %jit3A_430 = arith.constant 4 : i32
        %eq3A_431 = arith.constant 0 : i32
        %eq3A_432 = arith.cmpi eq, %jit3A_430, %eq3A_431 : i32
        %jit3A_433 = arith.constant 1 : i32
        %select_n3A_434 = arith.select %eq3A_432, %jit3A_433, %jit3A_430 : i32
        %rem3A_435 = arith.remsi %sub3A_279, %select_n3A_434 : i32
        %ne3A_436 = arith.constant 0 : i32
        %ne3A_437 = arith.cmpi ne, %rem3A_435, %ne3A_436 : i32
        %lt3A_438 = arith.constant 0 : i32
        %lt3A_439 = arith.cmpi slt, %rem3A_435, %lt3A_438 : i32
        %lt3A_440 = arith.constant 0 : i32
        %lt3A_441 = arith.cmpi slt, %select_n3A_434, %lt3A_440 : i32
        %ne3A_442 = arith.xori %lt3A_439, %lt3A_441 : i1
        %and3A_443 = arith.andi %ne3A_442, %ne3A_437 : i1
        %add3A_444 = arith.addi %rem3A_435, %select_n3A_434 : i32
        %select_n3A_445 = arith.select %and3A_443, %add3A_444, %rem3A_435 : i32
        %mul3A_446 = arith.constant 512 : i32
        %mul3A_447 = arith.muli %select_n3A_445, %mul3A_446 : i32
        %lt3A_448 = arith.constant 16 : i32
        %lt3A_449 = arith.cmpi slt, %select_n3A_429, %lt3A_448 : i32
        %convert_element_type3A_450 = arith.extui %lt3A_449 : i1 to i32
        %cond3A_451 = arith.constant 0 : i32
        %cond3A_452 = arith.cmpi ne, %convert_element_type3A_450, %cond3A_451 : i32
        scf.if %cond3A_452 {
          %dma_start3A = arith.constant 0 : i32
          %dma_start3A_458 = tpu.memref_slice %arg12[%dma_start3A, %rem3A_405] : memref<3x6x!tpu.dma_semaphore, #tpu.memory_space<semaphore_mem>> -> memref<1x1x!tpu.dma_semaphore, #tpu.memory_space<semaphore_mem>>
          %dma_start3A_459 = tpu.memref_squeeze %dma_start3A_458 : memref<1x1x!tpu.dma_semaphore, #tpu.memory_space<semaphore_mem>> -> memref<!tpu.dma_semaphore, #tpu.memory_space<semaphore_mem>>
          %dma_start3A_460 = arith.constant 0 : i32
          %dma_start3A_461 = arith.constant 0 : i32
          %dma_start3A_462 = tpu.memref_slice %arg9[%rem3A_405, %dma_start3A_460, %dma_start3A_461] : memref<6x768x512xf32, #tpu.memory_space<vmem>> -> memref<1x768x512xf32, #tpu.memory_space<vmem>>
          %dma_start3A_463 = tpu.memref_squeeze %dma_start3A_462 : memref<1x768x512xf32, #tpu.memory_space<vmem>> -> memref<768x512xf32, #tpu.memory_space<vmem>>
          %dma_start3A_464 = arith.constant 0 : i32
          %dma_start3A_465 = tpu.memref_slice %arg2[%select_n3A_429, %dma_start3A_464, %mul3A_447] : memref<16x768x2048xf32, #tpu.memory_space<hbm>> -> memref<1x768x512xf32, #tpu.memory_space<hbm>>
          %dma_start3A_466 = tpu.memref_squeeze %dma_start3A_465 : memref<1x768x512xf32, #tpu.memory_space<hbm>> -> memref<768x512xf32, #tpu.memory_space<hbm>>
          tpu.enqueue_dma source(%dma_start3A_466 : memref<768x512xf32, #tpu.memory_space<hbm>>) target(%dma_start3A_463 : memref<768x512xf32, #tpu.memory_space<vmem>>) target_semaphore(%dma_start3A_459 : memref<!tpu.dma_semaphore, #tpu.memory_space<semaphore_mem>>)
          %dma_start3A_467 = arith.constant 1 : i32
          %dma_start3A_468 = tpu.memref_slice %arg12[%dma_start3A_467, %rem3A_405] : memref<3x6x!tpu.dma_semaphore, #tpu.memory_space<semaphore_mem>> -> memref<1x1x!tpu.dma_semaphore, #tpu.memory_space<semaphore_mem>>
          %dma_start3A_469 = tpu.memref_squeeze %dma_start3A_468 : memref<1x1x!tpu.dma_semaphore, #tpu.memory_space<semaphore_mem>> -> memref<!tpu.dma_semaphore, #tpu.memory_space<semaphore_mem>>
          %dma_start3A_470 = arith.constant 0 : i32
          %dma_start3A_471 = arith.constant 0 : i32
          %dma_start3A_472 = tpu.memref_slice %arg10[%rem3A_405, %dma_start3A_470, %dma_start3A_471] : memref<6x768x512xf32, #tpu.memory_space<vmem>> -> memref<1x768x512xf32, #tpu.memory_space<vmem>>
          %dma_start3A_473 = tpu.memref_squeeze %dma_start3A_472 : memref<1x768x512xf32, #tpu.memory_space<vmem>> -> memref<768x512xf32, #tpu.memory_space<vmem>>
          %dma_start3A_474 = arith.constant 0 : i32
          %dma_start3A_475 = tpu.memref_slice %arg3[%select_n3A_429, %dma_start3A_474, %mul3A_447] : memref<16x768x2048xf32, #tpu.memory_space<hbm>> -> memref<1x768x512xf32, #tpu.memory_space<hbm>>
          %dma_start3A_476 = tpu.memref_squeeze %dma_start3A_475 : memref<1x768x512xf32, #tpu.memory_space<hbm>> -> memref<768x512xf32, #tpu.memory_space<hbm>>
          tpu.enqueue_dma source(%dma_start3A_476 : memref<768x512xf32, #tpu.memory_space<hbm>>) target(%dma_start3A_473 : memref<768x512xf32, #tpu.memory_space<vmem>>) target_semaphore(%dma_start3A_469 : memref<!tpu.dma_semaphore, #tpu.memory_space<semaphore_mem>>)
          %dma_start3A_477 = arith.constant 2 : i32
          %dma_start3A_478 = tpu.memref_slice %arg12[%dma_start3A_477, %rem3A_405] : memref<3x6x!tpu.dma_semaphore, #tpu.memory_space<semaphore_mem>> -> memref<1x1x!tpu.dma_semaphore, #tpu.memory_space<semaphore_mem>>
          %dma_start3A_479 = tpu.memref_squeeze %dma_start3A_478 : memref<1x1x!tpu.dma_semaphore, #tpu.memory_space<semaphore_mem>> -> memref<!tpu.dma_semaphore, #tpu.memory_space<semaphore_mem>>
          %dma_start3A_480 = arith.constant 0 : i32
          %dma_start3A_481 = arith.constant 0 : i32
          %dma_start3A_482 = tpu.memref_slice %arg11[%rem3A_405, %dma_start3A_480, %dma_start3A_481] : memref<6x512x768xf32, #tpu.memory_space<vmem>> -> memref<1x512x768xf32, #tpu.memory_space<vmem>>
          %dma_start3A_483 = tpu.memref_squeeze %dma_start3A_482 : memref<1x512x768xf32, #tpu.memory_space<vmem>> -> memref<512x768xf32, #tpu.memory_space<vmem>>
          %dma_start3A_484 = arith.constant 0 : i32
          %dma_start3A_485 = tpu.memref_slice %arg4[%select_n3A_429, %mul3A_447, %dma_start3A_484] : memref<16x2048x768xf32, #tpu.memory_space<hbm>> -> memref<1x512x768xf32, #tpu.memory_space<hbm>>
          %dma_start3A_486 = tpu.memref_squeeze %dma_start3A_485 : memref<1x512x768xf32, #tpu.memory_space<hbm>> -> memref<512x768xf32, #tpu.memory_space<hbm>>
          tpu.enqueue_dma source(%dma_start3A_486 : memref<512x768xf32, #tpu.memory_space<hbm>>) target(%dma_start3A_483 : memref<512x768xf32, #tpu.memory_space<vmem>>) target_semaphore(%dma_start3A_479 : memref<!tpu.dma_semaphore, #tpu.memory_space<semaphore_mem>>)
        } else {
        }
        %eq3A_453 = arith.constant 16 : i32
        %eq3A_454 = arith.cmpi eq, %select_n3A_429, %eq3A_453 : i32
        %convert_element_type3A_455 = arith.extui %eq3A_454 : i1 to i32
        %cond3A_456 = arith.constant 0 : i32
        %cond3A_457 = arith.cmpi ne, %convert_element_type3A_455, %cond3A_456 : i32
        scf.if %cond3A_457 {
          %dma_start3A = arith.constant 0 : i32
          %dma_start3A_458 = tpu.memref_slice %arg12[%dma_start3A, %rem3A_405] : memref<3x6x!tpu.dma_semaphore, #tpu.memory_space<semaphore_mem>> -> memref<1x1x!tpu.dma_semaphore, #tpu.memory_space<semaphore_mem>>
          %dma_start3A_459 = tpu.memref_squeeze %dma_start3A_458 : memref<1x1x!tpu.dma_semaphore, #tpu.memory_space<semaphore_mem>> -> memref<!tpu.dma_semaphore, #tpu.memory_space<semaphore_mem>>
          %dma_start3A_460 = arith.constant 0 : i32
          %dma_start3A_461 = arith.constant 0 : i32
          %dma_start3A_462 = tpu.memref_slice %arg9[%rem3A_405, %dma_start3A_460, %dma_start3A_461] : memref<6x768x512xf32, #tpu.memory_space<vmem>> -> memref<1x768x512xf32, #tpu.memory_space<vmem>>
          %dma_start3A_463 = tpu.memref_squeeze %dma_start3A_462 : memref<1x768x512xf32, #tpu.memory_space<vmem>> -> memref<768x512xf32, #tpu.memory_space<vmem>>
          %dma_start3A_464 = arith.constant 0 : i32
          %dma_start3A_465 = tpu.memref_slice %arg5[%dma_start3A_464, %mul3A_447] : memref<768x2048xf32, #tpu.memory_space<hbm>> -> memref<768x512xf32, #tpu.memory_space<hbm>>
          tpu.enqueue_dma source(%dma_start3A_465 : memref<768x512xf32, #tpu.memory_space<hbm>>) target(%dma_start3A_463 : memref<768x512xf32, #tpu.memory_space<vmem>>) target_semaphore(%dma_start3A_459 : memref<!tpu.dma_semaphore, #tpu.memory_space<semaphore_mem>>)
          %dma_start3A_466 = arith.constant 1 : i32
          %dma_start3A_467 = tpu.memref_slice %arg12[%dma_start3A_466, %rem3A_405] : memref<3x6x!tpu.dma_semaphore, #tpu.memory_space<semaphore_mem>> -> memref<1x1x!tpu.dma_semaphore, #tpu.memory_space<semaphore_mem>>
          %dma_start3A_468 = tpu.memref_squeeze %dma_start3A_467 : memref<1x1x!tpu.dma_semaphore, #tpu.memory_space<semaphore_mem>> -> memref<!tpu.dma_semaphore, #tpu.memory_space<semaphore_mem>>
          %dma_start3A_469 = arith.constant 0 : i32
          %dma_start3A_470 = arith.constant 0 : i32
          %dma_start3A_471 = tpu.memref_slice %arg10[%rem3A_405, %dma_start3A_469, %dma_start3A_470] : memref<6x768x512xf32, #tpu.memory_space<vmem>> -> memref<1x768x512xf32, #tpu.memory_space<vmem>>
          %dma_start3A_472 = tpu.memref_squeeze %dma_start3A_471 : memref<1x768x512xf32, #tpu.memory_space<vmem>> -> memref<768x512xf32, #tpu.memory_space<vmem>>
          %dma_start3A_473 = arith.constant 0 : i32
          %dma_start3A_474 = tpu.memref_slice %arg6[%dma_start3A_473, %mul3A_447] : memref<768x2048xf32, #tpu.memory_space<hbm>> -> memref<768x512xf32, #tpu.memory_space<hbm>>
          tpu.enqueue_dma source(%dma_start3A_474 : memref<768x512xf32, #tpu.memory_space<hbm>>) target(%dma_start3A_472 : memref<768x512xf32, #tpu.memory_space<vmem>>) target_semaphore(%dma_start3A_468 : memref<!tpu.dma_semaphore, #tpu.memory_space<semaphore_mem>>)
          %dma_start3A_475 = arith.constant 2 : i32
          %dma_start3A_476 = tpu.memref_slice %arg12[%dma_start3A_475, %rem3A_405] : memref<3x6x!tpu.dma_semaphore, #tpu.memory_space<semaphore_mem>> -> memref<1x1x!tpu.dma_semaphore, #tpu.memory_space<semaphore_mem>>
          %dma_start3A_477 = tpu.memref_squeeze %dma_start3A_476 : memref<1x1x!tpu.dma_semaphore, #tpu.memory_space<semaphore_mem>> -> memref<!tpu.dma_semaphore, #tpu.memory_space<semaphore_mem>>
          %dma_start3A_478 = arith.constant 0 : i32
          %dma_start3A_479 = arith.constant 0 : i32
          %dma_start3A_480 = tpu.memref_slice %arg11[%rem3A_405, %dma_start3A_478, %dma_start3A_479] : memref<6x512x768xf32, #tpu.memory_space<vmem>> -> memref<1x512x768xf32, #tpu.memory_space<vmem>>
          %dma_start3A_481 = tpu.memref_squeeze %dma_start3A_480 : memref<1x512x768xf32, #tpu.memory_space<vmem>> -> memref<512x768xf32, #tpu.memory_space<vmem>>
          %dma_start3A_482 = arith.constant 0 : i32
          %dma_start3A_483 = tpu.memref_slice %arg7[%mul3A_447, %dma_start3A_482] : memref<2048x768xf32, #tpu.memory_space<hbm>> -> memref<512x768xf32, #tpu.memory_space<hbm>>
          tpu.enqueue_dma source(%dma_start3A_483 : memref<512x768xf32, #tpu.memory_space<hbm>>) target(%dma_start3A_481 : memref<512x768xf32, #tpu.memory_space<vmem>>) target_semaphore(%dma_start3A_477 : memref<!tpu.dma_semaphore, #tpu.memory_space<semaphore_mem>>)
        } else {
        }
      } else {
      }
      %convert_element_type3A_369 = arith.truncf %mul3A_351 : vector<64x512xf32> to vector<64x512xbf16>
      %get3A_370 = arith.index_cast %rem3A_275 : i32 to index
      %get3A_371 = arith.constant 0 : index
      %get3A_372 = arith.constant 0 : index
      %get3A_373 = vector.load %arg11[%get3A_370, %get3A_371, %get3A_372] : memref<6x512x768xf32, #tpu.memory_space<vmem>>, vector<1x512x768xf32>
      %get3A_374 = vector.shape_cast %get3A_373 : vector<1x512x768xf32> to vector<512x768xf32>
      %convert_element_type3A_375 = arith.truncf %get3A_374 : vector<512x768xf32> to vector<512x768xbf16>
      %dot_general3A_376 = arith.constant dense<0.000000e+00> : vector<64x768xf32>
      %dot_general3A_377 = tpu.matmul %convert_element_type3A_369, %convert_element_type3A_375, %dot_general3A_376 {dimension_numbers = #tpu.dot_dimension_numbers<[1], [0], [0], [1], [0, 0, 1, 1], [], []>, transpose_lhs_hint = false} : vector<64x512xbf16>, vector<512x768xbf16>, vector<64x768xf32> -> vector<64x768xf32>
      %iota3A = tpu.iota {dimensions = array<i32: 1>} : vector<64x16xi32>
      %eq3A_378 = vector.broadcast %select_n3A_303 : i32 to vector<64x16xi32>
      %eq3A_379 = arith.cmpi eq, %iota3A, %eq3A_378 : vector<64x16xi32>
      %get3A_380 = arith.constant 0 : index
      %get3A_381 = arith.constant 0 : index
      %get3A_382 = vector.load %arg1[%get3A_380, %get3A_381] : memref<64x16xf32, #tpu.memory_space<vmem>>, vector<64x16xf32>
      %jit3A_383 = arith.constant 0.000000e+00 : f32
      %broadcast_in_dim3A_384 = vector.broadcast %jit3A_383 : f32 to vector<64x16xf32>
      %select_n3A_385 = arith.select %eq3A_379, %get3A_382, %broadcast_in_dim3A_384 : vector<64x16xi1>, vector<64x16xf32>
      %reduce_sum3A = arith.constant dense<0.000000e+00> : vector<64xf32>
      %reduce_sum3A_386 = vector.multi_reduction <add>, %select_n3A_385, %reduce_sum3A [1] : vector<64x16xf32> to vector<64xf32>
      %broadcast_in_dim3A_387 = vector.shape_cast %reduce_sum3A_386 : vector<64xf32> to vector<64x1xf32>
      %eq3A_388 = arith.constant 16 : i32
      %eq3A_389 = arith.cmpi eq, %select_n3A_303, %eq3A_388 : i32
      %jit3A_390 = arith.constant 1.000000e+00 : f32
      %jit3A_391 = arith.constant 0.000000e+00 : f32
      %select_n3A_392 = arith.select %eq3A_389, %jit3A_390, %jit3A_391 : f32
      %add3A_393 = vector.broadcast %select_n3A_392 : f32 to vector<64x1xf32>
      %add3A_394 = arith.addf %broadcast_in_dim3A_387, %add3A_393 : vector<64x1xf32>
      %get3A_395 = arith.constant 0 : index
      %get3A_396 = arith.constant 0 : index
      %get3A_397 = vector.load %arg8[%get3A_395, %get3A_396] : memref<64x768xf32, #tpu.memory_space<vmem>>, vector<64x768xf32>
      %mul3A_398 = vector.broadcast %add3A_394 : vector<64x1xf32> to vector<64x768xf32>
      %mul3A_399 = arith.mulf %mul3A_398, %dot_general3A_377 : vector<64x768xf32>
      %add3A_400 = arith.addf %get3A_397, %mul3A_399 : vector<64x768xf32>
      %swap3A_401 = arith.constant 0 : index
      %swap3A_402 = arith.constant 0 : index
      %swap3A_403 = vector.load %arg8[%swap3A_401, %swap3A_402] : memref<64x768xf32, #tpu.memory_space<vmem>>, vector<64x768xf32>
      tpu.vector_store %arg8[%swap3A_401, %swap3A_402], %add3A_400 {strides = array<i32>} : memref<64x768xf32, #tpu.memory_space<vmem>>, vector<64x768xf32>,
    }
    %scan3A_272 = arith.constant 68 : i32
    return
  }
}

</mosaic_0001>

<sc_bundles>
// kernel: kernel.4.cloned.1.call-start
scs
__scs_entry_jumppad:
0x0: {  	(pc) =	sbr.rel $0x88, $3  }
0x1: {  	(tag) =	ssettag $0x0;
	lr =	simm.s32 $0x1  }
0x2: {  	[smem:$0x3F99] =	sst lr;
	_ =	strace $0xD0000000  }
0x3: {  	_ = 	snop  }
0x4: {  	_ = 	snop  }
0x5: {  	_ = 	snop  }
0x6: {  	_ = 	snop  }
0x7: {  	_ = 	snop  }
__scs_overlays_trampoline_lowered:
0x8: {  	[smem:$0x3FA8] =	sst s0  }
0x9: {  	[smem:$0x3FA9] =	sst s1  }
0xa: {  	[smem:$0x3FAA] =	sst s2  }
0xb: {  	[smem:$0x3FAB] =	sst s3  }
0xc: {  	[smem:$0x3FAC] =	sst s4  }
0xd: {  	[smem:$0x3FAD] =	sst s5  }
0xe: {  	[smem:$0x3FAE] =	sst s6  }
0xf: {  	[smem:$0x3FAF] =	sst s7  }
0x10: {  	[smem:$0x3FB0] =	sst s8  }
0x11: {  	[smem:$0x3FB1] =	sst s9;
	s0 =	simm.s32 @!p0 $0x0  }
0x12: {  	s1 =	sld [smem:$0x3F97];
	s0 =	simm.s32 @p0 $0x1  }
0x13: {  	[smem:$0x3FB2] =	sst s0;
	s0 =	simm.s32 @!p1 $0x0  }
0x14: {  	s2 =	sld [smem:$0x3F96];
	s0 =	simm.s32 @p1 $0x1  }
0x15: {  	[smem:$0x3FB3] =	sst s0;
	s0 =	simm.s32 @!p2 $0x0  }
0x16: {  	s3 =	sld [smem:$0x3FDB];
	s0 =	simm.s32 @p2 $0x1  }
0x17: {  	s4 =	simm.s32 $0x1BF5;
	[smem:$0x3FB5] =	sst s0  }
0x18: {  	s0 =	sld [smem:$0x3F98];
	_ =	swait.ge [sflag:s4], $0x0  }
0x19: {  	s7 =	sld [smem:$0x3F99]  }
0x1a: {  	s8 =	sadd.s32 $0xFFFFE003, lr  }
0x1b: {  	s9 =	sadd.s32 $0xFFFFFEF7, lr;
	s5 =	simm.s32 $0xFFFFFFFF;
	p2 =	slt.u32 s8, $0xFFFFF086  }
0x1c: {  	p1 =	slt.u32 s9, $0xF7A;
	s5 =	simm.s32 @!p2 $0x0  }
0x1d: {  	s5 =	simm.s32 @p1 $0x1;
	p0 =	seq.s32 s7, s2  }
0x1e: {  	s7 =	smul.u32 @!p0 $0xF7A, s2;
	p2 =	seq.s32 @!p0 s5, $0x0  }
0x1f: {  	s9 =	smul.u32 $0xF7A, s1;
	s8 =	simm.s32 @!p0 $0x1BF5;
	p2 =	por !p2, p0  }
0x20: {  	[sflag:s8] =	ssyncset.s32 @!p0 $0xFFFFF086;
	s6 =	sadd.s32 @!p0 s3, s7;
	s7 =	simm.s32 @!p0 $0x108  }
0x21: {  	s3 =	sadd.s32 s3, s9;
	s6 =	sadd.s32 @!p0 $0x88, s6;
	s7 =	simm.s32 @p2 $0x1082  }
0x22: {  	[simem:s7], [sflag:s8] =	dma.local @!p0 [hbm:s6], $0xF7A  }
0x23: {  	s9 =	sor.u32 $0xD0000000, s2;
	s6 =	simm.s32 $0x108;
	_ =	swait.ge @!p0 [sflag:s8], $0x0  }
0x24: {  	s3 =	sadd.s32 $0x88, s3;
	s6 =	simm.s32 @!p1 $0x1082;
	[sflag:s4] =	ssyncset.s32 $0xFFFFF086  }
0x25: {  	[simem:s6], [sflag:s4] =	dma.local [hbm:s3], $0xF7A  }
0x26: {  	[smem:$0x3F99] =	sst s1;
	(tag) =	ssettag s2;
	_ =	strace s9  }
0x27: {  	s1 =	sld [smem:$0x3FA9]  }
0x28: {  	s2 =	sld [smem:$0x3FAA]  }
0x29: {  	s4 =	sld [smem:$0x3FAC]  }
0x2a: {  	p0 =	seq.s32 s5, $0x0;
	s5 =	sld [smem:$0x3FAD]  }
0x2b: {  	s6 =	sld [smem:$0x3FAE]  }
0x2c: {  	s7 =	sld [smem:$0x3FAF]  }
0x2d: {  	s3 =	simm.s32 $0x108;
	s8 =	sld [smem:$0x3FB0]  }
0x2e: {  	s3 =	simm.s32 @!p0 $0x1082;
	s9 =	sld [smem:$0x3FB1]  }
0x2f: {  	lr =	sadd.s32 s0, s3;
	s0 =	sld [smem:$0x3FA8]  }
0x30: {  	s3 =	sld [smem:$0x3FAB]  }
0x31: {  	[smem:$0x3FB4] =	sst s10  }
0x32: {  	s10 =	sld [smem:$0x3FB2];
	_ =	sdelay $0x3  }
0x33: {  	p0 =	seq.s32 s10, $0x1;
	s10 =	sld [smem:$0x3FB4];
	_ =	sdelay $0x3  }
0x34: {  	[smem:$0x3FB4] =	sst s10  }
0x35: {  	s10 =	sld [smem:$0x3FB3];
	_ =	sdelay $0x3  }
0x36: {  	p1 =	seq.s32 s10, $0x1;
	s10 =	sld [smem:$0x3FB4];
	_ =	sdelay $0x3  }
0x37: {  	[smem:$0x3FB4] =	sst s10  }
0x38: {  	s10 =	sld [smem:$0x3FB5]  }
0x39: {  	_ = 	snop;
	(pc) =	sbr.ind lr, $3  }
0x3a: {  	_ = 	snop  }
0x3b: {  	_ = 	snop  }
0x3c: {  	p2 =	seq.s32 s10, $0x1;
	s10 =	sld [smem:$0x3FB4]  }
0x3d: {  	_ =	shalt  }
0x3e: {  	_ =	shalt  }
0x3f: {  	_ =	shalt  }
0x40: {  	_ =	shalt  }
0x41: {  	_ =	shalt  }
0x42: {  	_ =	shalt  }
0x43: {  	_ =	shalt  }
0x44: {  	_ =	shalt  }
0x45: {  	_ =	shalt  }
0x46: {  	_ =	shalt  }
0x47: {  	_ =	shalt  }
0x48: {  	_ =	shalt  }
0x49: {  	_ =	shalt  }
0x4a: {  	_ =	shalt  }
0x4b: {  	_ =	shalt  }
0x4c: {  	_ =	shalt  }
0x4d: {  	_ =	shalt  }
0x4e: {  	_ =	shalt  }
0x4f: {  	_ =	shalt  }
0x50: {  	_ =	shalt  }
0x51: {  	_ =	shalt  }
0x52: {  	_ =	shalt  }
0x53: {  	_ =	shalt  }
0x54: {  	_ =	shalt  }
0x55: {  	_ =	shalt  }
0x56: {  	_ =	shalt  }
0x57: {  	_ =	shalt  }
0x58: {  	_ =	shalt  }
0x59: {  	_ =	shalt  }
0x5a: {  	_ =	shalt  }
0x5b: {  	_ =	shalt  }
0x5c: {  	_ =	shalt  }
0x5d: {  	_ =	shalt  }
0x5e: {  	_ =	shalt  }
0x5f: {  	_ =	shalt  }
0x60: {  	_ =	shalt  }
0x61: {  	_ =	shalt  }
0x62: {  	_ =	shalt  }
0x63: {  	_ =	shalt  }
0x64: {  	_ =	shalt  }
0x65: {  	_ =	shalt  }
0x66: {  	_ =	shalt  }
0x67: {  	_ =	shalt  }
0x68: {  	_ =	shalt  }
0x69: {  	_ =	shalt  }
0x6a: {  	_ =	shalt  }
0x6b: {  	_ =	shalt  }
0x6c: {  	_ =	shalt  }
0x6d: {  	_ =	shalt  }
0x6e: {  	_ =	shalt  }
0x6f: {  	_ =	shalt  }
0x70: {  	_ =	shalt  }
0x71: {  	_ =	shalt  }
0x72: {  	_ =	shalt  }
0x73: {  	_ =	shalt  }
0x74: {  	_ =	shalt  }
0x75: {  	_ =	shalt  }
0x76: {  	_ =	shalt  }
0x77: {  	_ =	shalt  }
0x78: {  	_ =	shalt  }
0x79: {  	_ =	shalt  }
0x7a: {  	_ =	shalt  }
0x7b: {  	_ =	shalt  }
0x7c: {  	_ =	shalt  }
0x7d: {  	_ =	shalt  }
0x7e: {  	_ =	shalt  }
0x7f: {  	_ =	shalt  }
0x80: {  	_ =	shalt  }
0x81: {  	_ =	shalt  }
0x82: {  	_ =	shalt  }
0x83: {  	_ =	shalt  }
0x84: {  	_ =	shalt  }
0x85: {  	_ =	shalt  }
0x86: {  	_ =	shalt  }
0x87: {  	_ =	shalt  }
.Lfunc_end0:
.L_simem_size_0:
called_computation_lowered:
.L_overlay_start_0:
0x88: {  	s2 =	sld [smem:$0x3FD9]  }
0x89: {  	s3 =	sld [smem:$0x3FFE];
	_ =	sdelay $0x1  }
0x8a: {  	s1 =	srdreg.scid  }
0x8b: {  	s0 =	sand.u32 $0x1, s1  }
0x8c: {  	s17 =	sshll.u32 s0, $0xA;
	s2 =	sadd.s32 s3, s2  }
0x8d: {  	s2 =	sadd.s32 s2, s17  }
0x8e: {  	[smem:$0x3FC0] =	sst s2  }
0x8f: {  	_ = 	snop  }
0x90: {  	s2 =	sld [smem:$0x3FC8]  }
0x91: {  	s18 =	sld [smem:$0x3FD0];
	(tm) =	ssettm $0x1  }
0x92: {  	s4 =	sld [smem:$0x3FFB];
	_ =	sdelay $0x3  }
0x93: {  	_ =	strace s4  }
0x94: {  	s4 =	sld [smem:$0x3FFC];
	_ =	sdelay $0x3  }
0x95: {  	_ =	strace s4  }
0x96: {  	s4 =	sld [smem:$0x3FFD];
	_ =	sdelay $0x3  }
0x97: {  	_ =	strace s4  }
0x98: {  	_ =	strace $0x8FFFFFFF  }
0x99: {  	s19 =	sld [smem:$0x3FDB];
	_ =	sdelay $0x1  }
0x9a: {  	s5 =	simm.s32 $_scs_section_size  }
0x9b: {  	s6 =	simm.s32 $_size__tile_overlayer_lowered;
	s7 =	simm.s32 $_tile_overlayer_lowered  }
0x9c: {  	s22 =	simm.s32 $0x1BFF;
	s21 =	sshll.u32 s7, $0x1;
	s4 =	sadd.s32 s5, s19  }
0x9d: {  	s8 =	simm.s32 $0x0;
	s20 =	sshll.u32 s6, $0x1;
	s6 =	sadd.s32 s21, s4  }
0x9e: {  	[timem:s8], [sflag:s22] =	dma.local [hbm:s6], s20  }
0x9f: {  	_ =	swait.ge [sflag:s22], s20  }
0xa0: {  	s5 =	ssub.s32 $0x0, s20;
	[sflag:s22] =	ssyncset.done $0x0  }
0xa1: {  	[sflag:s22] =	ssyncadd.s32 s5;
	_ =	sdelay $0x1  }
0xa2: {  	s23 =	simm.s32 $0x1B8B  }
0xa3: {  	_ =	swait.ge [sflag:s23], $0x1  }
0xa4: {  	[sflag:s23] =	ssyncset.done $0x0  }
0xa5: {  	s25 =	simm.s32 $0x1B8E;
	s24 =	sld [smem:$0x3FFE];
	[sflag:s23] =	ssyncadd.s32 $0xFFFFFFFF  }
0xa6: {  	s26 =	simm.s32 $execute0_lowered;
	[smem:$0x3FD2] =	sst s25  }
0xa7: {  	s6 =	sshll.u32 s26, $0x1;
	_ =	strace $0x80000046;
	[dreg:$0x1] =	wrdreg $0xFFFFFFFF  }
0xa8: {  	s28 =	simm.s32 $_size_execute0_lowered;
	s4 =	sadd.s32 s4, s6;
	[dreg:$0x0] =	wrdreg $0x0  }
0xa9: {  	s6 =	sshll.u32 s28, $0x1;
	[dreg:$0x2] =	wrdreg s4  }
0xaa: {  	[dreg:$0x3] =	wrdreg s6  }
0xab: {  	[dreg:$0x4] =	wrdreg $0xC0  }
0xac: {  	_ =	task [dreg:s8], $0x5FFFF  }
0xad: {  	[dreg:$0x1] =	wrdreg $0xFFFFFFFF  }
0xae: {  	[dreg:$0x0] =	wrdreg $0x60  }
0xaf: {  	[dreg:$0x2] =	wrdreg s18  }
0xb0: {  	[dreg:$0x3] =	wrdreg s2  }
0xb1: {  	[dreg:$0x4] =	wrdreg s24  }
0xb2: {  	[dreg:$0x5] =	wrdreg $0x9  }
0xb3: {  	_ =	task.clear_ibuf [dreg:s8], $0x6FFFF;
	_ =	strace $0x90000046  }
0xb4: {  	s29 =	simm.s32 $0x9;
	_ =	strace $0x80000048  }
0xb5: {  	_ =	swait.ge [sflag:s29], $0x1  }
0xb6: {  	[sflag:s29] =	ssyncadd.s32 $0xFFFFFFFF  }
0xb7: {  	_ =	strace $0x90000048  }
0xb8: {  	_ =	sfence  }
0xb9: {  	s30 =	sld [smem:$0x0];
	_ =	sdelay $0x2  }
0xba: {  	s31 =	sshll.u32 s1, $0xD;
	s1 =	sshrl.u32 s1, $0x2  }
0xbb: {  	s3 =	sand.u32 $0x4000, s31;
	s1 =	sadd.s32 s1, s30  }
0xbc: {  	s0 =	sor.u32 s3, s0;
	s1 =	sshll.u32 s1, $0x11  }
0xbd: {  	s0 =	sor.u32 s1, s0  }
0xbe: {  	s0 =	sadd.s32 $0x8F2B, s0  }
0xbf: {  	[sflag:s0] =	ssyncadd.remote.s32 $0x1  }
0xc0: {  	_ =	sfence.sel $0xFFFF  }
0xc1: {  	[dreg:$0x0] =	wrdreg $0xFFFFFFFF;
	(pc) =	sbr.abs _section_cstart, $3  }
0xc2: {  	[dreg:$0x1] =	wrdreg $0xFFFFFFFF  }
0xc3: {  	_ =	task.clear_ibuf [dreg:s8], $0x2FFFF;
	_ =	strace $0x9FFFFFFF  }
0xc4: {  	(tm) =	ssettm $0x7FFFFFFF  }
0xc5: {  	_ =	shalt  }
tec
execute0_lowered:
.L_overlay_start_1:
0x0: {  	(tag) =	ssettag $0x1  }
0x1: {  	s4 =	rddreg [dreg:$0x0]  }
0x2: {  	v0 =	vimm.s32 $0xFEDCBA98;
	v1 =	vimm.s32 $0x76543210;
	s1 =	rddreg [dreg:$0x1]  }
0x3: {  	s0 =	stileid.u32;
	s5 =	rddreg [dreg:$0x2];
	v3 =	vimm.s32 $0x32107654;
	v4 =	vimm.s32 $0xDCFE98BA;
	v5 =	vimm.s32 $0x54761032  }
0x4: {  	s2 =	simm.s32 $0x0;
	s6 =	srdreg.scid;
	v6 =	vimm.s32 $0xEFCDAB89;
	v7 =	vimm.s32 $0x67452301;
	s11 =	simm.s32 $0x3600;
	v0 =	vunpack.c.l.s4.s8 v0  }
0x5: {  	s12 =	simm.s32 $0x0;
	s3 =	sshll.u32 s0, $0x9;
	v1 =	vunpack.c.l.s4.s8 v1;
	[smem:$0x7FF] =	sst s2;
	v3 =	vunpack.c.l.s4.s8 v3;
	v4 =	vunpack.c.l.s4.s8 v4  }
0x6: {  	s6 =	sand.u32 $0x1, s6;
	s9 =	sshrl.u32 s0, $0x1;
	v5 =	vunpack.c.l.s4.s8 v5;
	s7 =	sand.u32 $0x200, s3;
	v2 =	vunpack.c.0.s8.s32 v0;
	v0 =	vimm.s32 $0xBA98FEDC  }
0x7: {  	v6 =	vunpack.c.l.s4.s8 v6;
	v7 =	vunpack.c.l.s4.s8 v7;
	s3 =	rddreg [dreg:$0x3];
	s8 =	sshll.u32 s6, $0x8;
	s31 =	sshll.u32 s9, $0xA;
	v0 =	vunpack.c.l.s4.s8 v0  }
0x8: {  	s9 =	smul.u32 $0x1800, s9;
	s6 =	ssub.s32 $0x2, s6;
	s7 =	sor.u32 s8, s7;
	v3 =	vunpack.c.0.s8.s32 v3;
	v4 =	vunpack.c.0.s8.s32 v4;
	v5 =	vunpack.c.0.s8.s32 v5  }
0x9: {  	_ =	strace $0x80000047;
	s10 =	sshrl.u32 s6, $0x1;
	v6 =	vunpack.c.0.s8.s32 v6;
	v7 =	vunpack.c.0.s8.s32 v7;
	s8 =	sor.u32 s31, s7;
	v0 =	vunpack.c.0.s8.s32 v0  }
0xa: {  	v8 =	vunpack.c.0.s8.s32 v1;
	s7 =	sor.u32 s9, s7;
	s6 =	ssub.s32 s6, s10;
	s9 =	simm.s32 $0x400;
	v1 =	vcombine.low v5, v4  }
0xb: {  	s10 =	simm.s32 $0x3000;
	s8 =	sshrl.u32 s8, $0x3;
	s7 =	sshrl.u32 s7, $0x3;
	v9 =	vand.u32 $0xF, v2;
	v2 =	vcombine.low v7, v6;
	v0 =	vcombine.low v3, v0  }
0xc: {  	s6 =	smax.u32 s6, $0x1;
	s5 =	sadd.s32 s8, s5;
	s4 =	sadd.s32 s4, s7;
	v4 =	vcombine.low v9, v8;
	v6 =	vand.u32 $0xF, v1  }
0xd: {  	s7 =	simm.s32 $0x1;
	s8 =	simm.s32 $0x100;
	s5 =	sadd.s32 $0xE00, s5;
	v7 =	vand.u32 $0xF, v2;
	v3 =	vlaneseq.u32;
	v5 =	vand.u32 $0xF, v0  }
.LBB2_1:
0xe: {  	[tilespmem:s2], [sflag:$0x1] =	stream.linear.gather [hbm4b:s1+s2], $0x3000, $0x38;
	[tilespmem:$0x3700] =	vst v63  }
0xf: {  	_ =	swait.ge [sflag:s7], $0x3000  }
0x10: {  	[sflag:s7] =	ssyncset.done $0x0  }
0x11: {  	[sflag:s7] =	ssyncadd.s32 $0xFFFFD000  }
0x12: {  	[tilespmem:s10], [sflag:$0x1] =	stream.strided.gather [hbm4b:s4+s8], $0x600, s9, s8, $0x38;
	[tilespmem:$0x3700] =	vst v63  }
0x13: {  	_ =	swait.ge [sflag:s7], $0x600  }
0x14: {  	[sflag:s7] =	ssyncset.done $0x0  }
0x15: {  	v8 =	vimm.f32 $0.0e+00;
	s13 =	simm.s32 $0x0;
	[sflag:s7] =	ssyncadd.s32 $0xFFFFFA00  }
.LBB2_2:
0x16: {  	s14 =	sshrl.u32 s13, $0x3  }
0x17: {  	s15 =	sshll.u32 s13, $0x7;
	s14 =	smul.u32 $0x6000, s14  }
0x18: {  	s24 =	simm.s32 $0x0;
	s16 =	simm.s32 $0x0;
	s17 =	simm.s32 $0x0  }
0x19: {  	s15 =	sand.u32 $0x380, s15;
	s17 =	sand.u32 $0xFFFFFF00, s17;
	s14 =	sshra.s32 s14, $0x2  }
0x1a: {  	s16 =	sand.u32 $0x3FFFFC00, s16;
	s14 =	sor.u32 s15, s14;
	s15 =	sand.u32 $0x70, s24  }
0x1b: {  	s17 =	sor.u32 s15, s17;
	s16 =	sadd.s32 s16, s14  }
0x1c: {  	v9 =	vld [tilespmem:s17+$0x3000];
	s15 =	sadd.s32 s15, s16  }
0x1d: {  	v10 =	vld [tilespmem:s15+$0x0];
	_ =	sdelay $0x1  }
0x1e: {  	s25 =	simm.s32 $0x80;
	s26 =	simm.s32 $0x10;
	s28 =	simm.s32 $0x20  }
0x1f: {  	s16 =	sand.u32 $0x70, s26;
	s17 =	sand.u32 $0xFFFFFF00, s28;
	s15 =	sand.u32 $0x3FFFFC00, s25  }
0x20: {  	s17 =	sor.u32 s16, s17;
	s15 =	sadd.s32 s15, s14  }
0x21: {  	v16 =	vld [tilespmem:s17+$0x3000];
	s15 =	sadd.s32 s16, s15;
	v11 =	vmul.f32 $6.553700000e+04, v9;
	v12 =	vmul.f32 $6.553700000e+04, v10  }
0x22: {  	v14 =	vld [tilespmem:s15+$0x0]  }
0x23: {  	v9 =	vsub.f32 v11, v9;
	v10 =	vsub.f32 v12, v10  }
0x24: {  	s29 =	simm.s32 $0x100;
	s30 =	simm.s32 $0x40;
	s15 =	simm.s32 $0x20  }
0x25: {  	s17 =	sand.u32 $0xFFFFFF00, s30;
	s16 =	sand.u32 $0x3FFFFC00, s29;
	s18 =	sand.u32 $0x70, s15;
	v15 =	vsub.f32 v11, v9;
	v10 =	vsub.f32 v12, v10  }
0x26: {  	s16 =	sadd.s32 s16, s14;
	s17 =	sor.u32 s18, s17;
	v11 =	vmul.f32 $6.553700000e+04, v16  }
0x27: {  	s31 =	sadd.s32 s18, s16;
	v9 =	vld [tilespmem:s17+$0x3000];
	v13 =	vmul.f32 $6.553700000e+04, v14;
	v15 =	vmul.f32 v10, v15  }
0x28: {  	s16 =	simm.s32 $0x3;
	v12 =	vld [tilespmem:s31+$0x0];
	v16 =	vsub.f32 v11, v16;
	v10 =	vimm.f32 $0.0e+00  }
.LBB2_3:
0x29: {  	s17 =	sshll.u32 s16, $0x7;
	s15 =	sadd.s32 $0x10, s15;
	v14 =	vsub.f32 v13, v14;
	v10 =	vadd.f32 v15, v10;
	p0 =	sne.s32 s16, $0x2F  }
.Ltmp0:
0x2a: {  	s16 =	sadd.s32 $0x1, s16;
	s18 =	sshra.s32 s17, $0x2;
	(pc) =	sbr.rel @p0 .LBB2_3-.Ltmp0, $4  }
0x2b: {  	s19 =	sand.u32 $0x70, s15;
	s17 =	sand.u32 $0x3FFFFC00, s17;
	v15 =	vsub.f32 v11, v16;
	s18 =	sand.u32 $0xFFFFFF00, s18;
	v17 =	vsub.f32 v13, v14  }
0x2c: {  	s17 =	sadd.s32 s17, s14;
	s18 =	sor.u32 s19, s18;
	v11 =	vmul.f32 $6.553700000e+04, v9;
	v16 =	vmov v9  }
0x2d: {  	s17 =	sadd.s32 s19, s17;
	v9 =	vld [tilespmem:s18+$0x3000];
	v13 =	vmul.f32 $6.553700000e+04, v12;
	v15 =	vmul.f32 v17, v15;
	v14 =	vmov v12  }
0x2e: {  	v12 =	vld [tilespmem:s17+$0x0];
	v16 =	vsub.f32 v11, v16  }
0x2f: {  	_ =	sdelay $0x2  }
0x30: {  	v14 =	vsub.f32 v13, v14  }
0x31: {  	v17 =	vmul.f32 $6.553700000e+04, v9;
	v18 =	vmul.f32 $6.553700000e+04, v12  }
0x32: {  	v11 =	vsub.f32 v11, v16;
	v13 =	vsub.f32 v13, v14  }
0x33: {  	v9 =	vsub.f32 v17, v9;
	v12 =	vsub.f32 v18, v12  }
0x34: {  	v10 =	vadd.f32 v15, v10  }
0x35: {  	v11 =	vmul.f32 v13, v11;
	v9 =	vsub.f32 v17, v9;
	v12 =	vsub.f32 v18, v12;
	_ =	sdelay $0x1  }
0x36: {  	v10 =	vadd.f32 v11, v10;
	v9 =	vmul.f32 v12, v9;
	_ =	sdelay $0x1  }
0x37: {  	v9 =	vadd.f32 v9, v10;
	_ =	sdelay $0x1  }
0x38: {  	v10 =	vperm.xlane v9, v4;
	_ =	sdelay $0x1  }
0x39: {  	v9 =	vadd.f32 v10, v9;
	_ =	sdelay $0x1  }
0x3a: {  	v10 =	vperm.xlane v9, v0;
	_ =	sdelay $0x1  }
0x3b: {  	v9 =	vadd.f32 v10, v9;
	_ =	sdelay $0x1  }
0x3c: {  	v10 =	vperm.xlane v9, v1;
	_ =	sdelay $0x1  }
0x3d: {  	v11 =	vmov s13;
	s13 =	sadd.s32 $0x1, s13;
	v9 =	vadd.f32 v10, v9  }
0x3e: {  	p0 =	sne.s32 s13, $0x10  }
.Ltmp1:
0x3f: {  	v10 =	vperm.xlane v9, v2;
	(pc) =	sbr.rel @p0 .LBB2_2-.Ltmp1, $4  }
0x40: {  	_ = 	snop  }
0x41: {  	v9 =	vadd.f32 v10, v9  }
0x42: {  	vm0 =	veq.s32 v11, v3  }
0x43: {  	v8 =	vsel vm0, v9, v8  }
0x44: {  	v9 =	vperm.xlane v8, v4;
	_ =	sdelay $0x1  }
0x45: {  	v9 =	vmax.f32 v8, v9  }
0x46: {  	v10 =	vperm.xlane v9, v5;
	_ =	sdelay $0x1  }
0x47: {  	v9 =	vmax.f32 v9, v10  }
0x48: {  	v10 =	vperm.xlane v9, v6;
	_ =	sdelay $0x1  }
0x49: {  	v9 =	vmax.f32 v9, v10  }
0x4a: {  	v10 =	vperm.xlane v9, v7;
	_ =	sdelay $0x1  }
0x4b: {  	v9 =	vmax.f32 v9, v10  }
0x4c: {  	v8 =	vsub.f32 v8, v9;
	_ =	sdelay $0x1  }
0x4d: {  	v8 =	vmul.f32 $1.442695020e+00, v8;
	_ =	sdelay $0x1  }
0x4e: {  	(erf) = vpow2.f32 v8;
	_ =	sdelay $0x8  }
0x4f: {  	v8 =	vpop (erf)  }
0x50: {  	v9 =	vperm.xlane v8, v4;
	_ =	sdelay $0x1  }
0x51: {  	v9 =	vadd.f32 v8, v9;
	_ =	sdelay $0x1  }
0x52: {  	v10 =	vperm.xlane v9, v5;
	_ =	sdelay $0x1  }
0x53: {  	v9 =	vadd.f32 v9, v10;
	_ =	sdelay $0x1  }
0x54: {  	v10 =	vperm.xlane v9, v6;
	_ =	sdelay $0x1  }
0x55: {  	v9 =	vadd.f32 v9, v10;
	_ =	sdelay $0x1  }
0x56: {  	v10 =	vperm.xlane v9, v7;
	_ =	sdelay $0x1  }
0x57: {  	v9 =	vadd.f32 v9, v10;
	_ =	sdelay $0x1  }
0x58: {  	(erf) = vrcp.f32 v9;
	_ =	sdelay $0x8  }
0x59: {  	v9 =	vpop (erf)  }
0x5a: {  	v8 =	vmul.f32 v9, v8;
	_ =	sdelay $0x1  }
0x5b: {  	v9 =	vperm.xlane v8, v4;
	_ =	sdelay $0x1  }
0x5c: {  	v9 =	vmax.f32 v8, v9  }
0x5d: {  	v10 =	vperm.xlane v9, v5;
	_ =	sdelay $0x1  }
0x5e: {  	v9 =	vmax.f32 v9, v10  }
0x5f: {  	v10 =	vperm.xlane v9, v6;
	_ =	sdelay $0x1  }
0x60: {  	v9 =	vmax.f32 v9, v10  }
0x61: {  	v10 =	vperm.xlane v9, v7;
	_ =	sdelay $0x1  }
0x62: {  	v9 =	vmax.f32 v9, v10  }
0x63: {  	vm0 =	veq.f32 v8, v9  }
0x64: {  	v10 =	vnsel vm0, $0x10, v3  }
0x65: {  	v11 =	vperm.xlane v10, v4;
	_ =	sdelay $0x1  }
0x66: {  	vm0 =	vlt.s32 v10, v11  }
0x67: {  	v10 =	vsel vm0, v10, v11  }
0x68: {  	v11 =	vperm.xlane v10, v5;
	_ =	sdelay $0x1  }
0x69: {  	vm0 =	vlt.s32 v10, v11  }
0x6a: {  	v10 =	vsel vm0, v10, v11  }
0x6b: {  	v11 =	vperm.xlane v10, v6;
	_ =	sdelay $0x1  }
0x6c: {  	vm0 =	vlt.s32 v10, v11  }
0x6d: {  	v10 =	vsel vm0, v10, v11  }
0x6e: {  	v11 =	vperm.xlane v10, v7;
	_ =	sdelay $0x1  }
0x6f: {  	vm0 =	vlt.s32 v10, v11  }
0x70: {  	v10 =	vsel vm0, v10, v11  }
0x71: {  	vm0 =	veq.s32 v10, v3  }
0x72: {  	v8 =	vsel vm0, $0xF149F2CA, v8  }
0x73: {  	v10 =	vperm.xlane v8, v4;
	_ =	sdelay $0x1  }
0x74: {  	v10 =	vmax.f32 v8, v10  }
0x75: {  	v11 =	vperm.xlane v10, v5;
	_ =	sdelay $0x1  }
0x76: {  	v10 =	vmax.f32 v10, v11  }
0x77: {  	v11 =	vperm.xlane v10, v6;
	_ =	sdelay $0x1  }
0x78: {  	v10 =	vmax.f32 v10, v11  }
0x79: {  	v11 =	vperm.xlane v10, v7;
	_ =	sdelay $0x1  }
0x7a: {  	v10 =	vmax.f32 v10, v11  }
0x7b: {  	vm1 =	veq.f32 v8, v10  }
0x7c: {  	v8 =	vnsel vm1, $0x10, v3  }
0x7d: {  	v11 =	vperm.xlane v8, v4  }
0x7e: {  	v12 =	vadd.f32 v10, v9  }
0x7f: {  	vm1 =	vlt.s32 v8, v11  }
0x80: {  	v8 =	vsel vm1, v8, v11;
	v11 =	vadd.f32 $9.999999680e-21, v12  }
0x81: {  	v62 =	vperm.xlane v8, v5  }
0x82: {  	(erf) = vrcp.f32 v11  }
0x83: {  	vm1 =	vlt.s32 v8, v62  }
0x84: {  	v8 =	vsel vm1, v8, v62  }
0x85: {  	v11 =	vperm.xlane v8, v6;
	_ =	sdelay $0x1  }
0x86: {  	vm1 =	vlt.s32 v8, v11  }
0x87: {  	v8 =	vsel vm1, v8, v11  }
0x88: {  	v11 =	vperm.xlane v8, v7;
	_ =	sdelay $0x1  }
0x89: {  	vm1 =	vlt.s32 v8, v11;
	v63 =	vpop (erf)  }
0x8a: {  	v8 =	vsel vm1, v8, v11;
	v9 =	vmul.f32 v63, v9;
	v10 =	vmul.f32 v63, v10  }
0x8b: {  	vm1 =	veq.s32 v8, v3  }
0x8c: {  	v8 =	vnsel vm0, $0x0, v9;
	v9 =	vnsel vm1, $0x0, v10  }
0x8d: {  	v9 =	vadd.f32 v9, v8;
	_ =	sdelay $0x1  }
0x8e: {  	s13 =	simm.s32 $0x0;
	s14 =	simm.s32 $0x0;
	v8 =	vimm.f32 $0.0e+00;
	[tilespmem:$0x3600] =	vst v9  }
.LBB2_6:
0x8f: {  	s15 =	sshrl.u32 s14, $0x3  }
0x90: {  	s15 =	smul.u32 $0x6000, s15  }
0x91: {  	s16 =	sshll.u32 s14, $0x7;
	s24 =	simm.s32 $0x0;
	s17 =	simm.s32 $0x0  }
0x92: {  	s18 =	sand.u32 $0x70, s13;
	s16 =	sand.u32 $0x380, s16;
	s15 =	sshra.s32 s15, $0x2  }
0x93: {  	s17 =	sand.u32 $0xFFFFFF00, s17;
	s15 =	sor.u32 s16, s15;
	s16 =	sand.u32 $0x3FFFFC00, s24  }
0x94: {  	s17 =	sor.u32 s18, s17;
	s16 =	sadd.s32 s16, s15  }
0x95: {  	v9 =	vld [tilespmem:s17+$0x3080];
	s16 =	sadd.s32 s18, s16  }
0x96: {  	v10 =	vld [tilespmem:s16+$0x0];
	_ =	sdelay $0x1  }
0x97: {  	s25 =	simm.s32 $0x80;
	s26 =	simm.s32 $0x10;
	s28 =	simm.s32 $0x20  }
0x98: {  	s17 =	sand.u32 $0x70, s26;
	s18 =	sand.u32 $0xFFFFFF00, s28;
	s16 =	sand.u32 $0x3FFFFC00, s25  }
0x99: {  	s18 =	sor.u32 s17, s18;
	s16 =	sadd.s32 s16, s15  }
0x9a: {  	v16 =	vld [tilespmem:s18+$0x3080];
	v11 =	vmul.f32 $6.553700000e+04, v9;
	s16 =	sadd.s32 s17, s16;
	v12 =	vmul.f32 $6.553700000e+04, v10  }
0x9b: {  	v14 =	vld [tilespmem:s16+$0x0]  }
0x9c: {  	v9 =	vsub.f32 v11, v9;
	v10 =	vsub.f32 v12, v10  }
0x9d: {  	s29 =	simm.s32 $0x100;
	s30 =	simm.s32 $0x40;
	s16 =	simm.s32 $0x20  }
0x9e: {  	s18 =	sand.u32 $0xFFFFFF00, s30;
	s17 =	sand.u32 $0x3FFFFC00, s29;
	s19 =	sand.u32 $0x70, s16;
	v15 =	vsub.f32 v11, v9;
	v10 =	vsub.f32 v12, v10  }
0x9f: {  	s17 =	sadd.s32 s17, s15;
	s18 =	sor.u32 s19, s18;
	v11 =	vmul.f32 $6.553700000e+04, v16  }
0xa0: {  	s31 =	sadd.s32 s19, s17;
	v9 =	vld [tilespmem:s18+$0x3080];
	v13 =	vmul.f32 $6.553700000e+04, v14;
	v15 =	vmul.f32 v10, v15  }
0xa1: {  	s17 =	simm.s32 $0x3;
	v16 =	vsub.f32 v11, v16;
	v12 =	vld [tilespmem:s31+$0x0];
	v10 =	vimm.f32 $0.0e+00  }
.LBB2_7:
0xa2: {  	s18 =	sshll.u32 s17, $0x7;
	s16 =	sadd.s32 $0x10, s16;
	v14 =	vsub.f32 v13, v14;
	v10 =	vadd.f32 v15, v10;
	p0 =	sne.s32 s17, $0x2F  }
.Ltmp2:
0xa3: {  	s17 =	sadd.s32 $0x1, s17;
	s19 =	sshra.s32 s18, $0x2;
	(pc) =	sbr.rel @p0 .LBB2_7-.Ltmp2, $4  }
0xa4: {  	s20 =	sand.u32 $0x70, s16;
	s18 =	sand.u32 $0x3FFFFC00, s18;
	v15 =	vsub.f32 v11, v16;
	s19 =	sand.u32 $0xFFFFFF00, s19;
	v17 =	vsub.f32 v13, v14  }
0xa5: {  	s18 =	sadd.s32 s18, s15;
	s19 =	sor.u32 s20, s19;
	v11 =	vmul.f32 $6.553700000e+04, v9;
	v16 =	vmov v9  }
0xa6: {  	s18 =	sadd.s32 s20, s18;
	v9 =	vld [tilespmem:s19+$0x3080];
	v13 =	vmul.f32 $6.553700000e+04, v12;
	v15 =	vmul.f32 v17, v15;
	v14 =	vmov v12  }
0xa7: {  	v12 =	vld [tilespmem:s18+$0x0];
	v16 =	vsub.f32 v11, v16  }
0xa8: {  	_ =	sdelay $0x2  }
0xa9: {  	v14 =	vsub.f32 v13, v14  }
0xaa: {  	v17 =	vmul.f32 $6.553700000e+04, v9;
	v18 =	vmul.f32 $6.553700000e+04, v12  }
0xab: {  	v11 =	vsub.f32 v11, v16;
	v13 =	vsub.f32 v13, v14  }
0xac: {  	v9 =	vsub.f32 v17, v9;
	v12 =	vsub.f32 v18, v12  }
0xad: {  	v10 =	vadd.f32 v15, v10  }
0xae: {  	v11 =	vmul.f32 v13, v11;
	v9 =	vsub.f32 v17, v9;
	v12 =	vsub.f32 v18, v12;
	_ =	sdelay $0x1  }
0xaf: {  	v10 =	vadd.f32 v11, v10;
	v9 =	vmul.f32 v12, v9;
	_ =	sdelay $0x1  }
0xb0: {  	v9 =	vadd.f32 v9, v10;
	_ =	sdelay $0x1  }
0xb1: {  	v10 =	vperm.xlane v9, v4;
	_ =	sdelay $0x1  }
0xb2: {  	v9 =	vadd.f32 v10, v9;
	_ =	sdelay $0x1  }
0xb3: {  	v10 =	vperm.xlane v9, v0;
	_ =	sdelay $0x1  }
0xb4: {  	v9 =	vadd.f32 v10, v9;
	_ =	sdelay $0x1  }
0xb5: {  	v10 =	vperm.xlane v9, v1;
	_ =	sdelay $0x1  }
0xb6: {  	v11 =	vmov s14;
	s14 =	sadd.s32 $0x1, s14;
	v9 =	vadd.f32 v10, v9  }
0xb7: {  	p0 =	sne.s32 s14, $0x10  }
.Ltmp3:
0xb8: {  	v10 =	vperm.xlane v9, v2;
	(pc) =	sbr.rel @p0 .LBB2_6-.Ltmp3, $4  }
0xb9: {  	_ = 	snop  }
0xba: {  	v9 =	vadd.f32 v10, v9  }
0xbb: {  	vm0 =	veq.s32 v11, v3  }
0xbc: {  	v8 =	vsel vm0, v9, v8  }
0xbd: {  	v9 =	vperm.xlane v8, v4;
	_ =	sdelay $0x1  }
0xbe: {  	v9 =	vmax.f32 v8, v9  }
0xbf: {  	v10 =	vperm.xlane v9, v5;
	_ =	sdelay $0x1  }
0xc0: {  	v9 =	vmax.f32 v9, v10  }
0xc1: {  	v10 =	vperm.xlane v9, v6;
	_ =	sdelay $0x1  }
0xc2: {  	v9 =	vmax.f32 v9, v10  }
0xc3: {  	v10 =	vperm.xlane v9, v7;
	_ =	sdelay $0x1  }
0xc4: {  	v9 =	vmax.f32 v9, v10  }
0xc5: {  	v8 =	vsub.f32 v8, v9;
	_ =	sdelay $0x1  }
0xc6: {  	v8 =	vmul.f32 $1.442695020e+00, v8;
	_ =	sdelay $0x1  }
0xc7: {  	(erf) = vpow2.f32 v8;
	_ =	sdelay $0x8  }
0xc8: {  	v8 =	vpop (erf)  }
0xc9: {  	v52 =	vperm.xlane v8, v4;
	_ =	sdelay $0x1  }
0xca: {  	v9 =	vadd.f32 v8, v52;
	_ =	sdelay $0x1  }
0xcb: {  	v53 =	vperm.xlane v9, v5;
	_ =	sdelay $0x1  }
0xcc: {  	v9 =	vadd.f32 v9, v53;
	_ =	sdelay $0x1  }
0xcd: {  	v10 =	vperm.xlane v9, v6;
	_ =	sdelay $0x1  }
0xce: {  	v9 =	vadd.f32 v9, v10;
	_ =	sdelay $0x1  }
0xcf: {  	v10 =	vperm.xlane v9, v7;
	_ =	sdelay $0x1  }
0xd0: {  	v9 =	vadd.f32 v9, v10;
	_ =	sdelay $0x1  }
0xd1: {  	(erf) = vrcp.f32 v9;
	_ =	sdelay $0x8  }
0xd2: {  	v9 =	vpop (erf)  }
0xd3: {  	v8 =	vmul.f32 v9, v8;
	_ =	sdelay $0x1  }
0xd4: {  	v9 =	vperm.xlane v8, v4;
	_ =	sdelay $0x1  }
0xd5: {  	v9 =	vmax.f32 v8, v9  }
0xd6: {  	v54 =	vperm.xlane v9, v5;
	_ =	sdelay $0x1  }
0xd7: {  	v9 =	vmax.f32 v9, v54  }
0xd8: {  	v10 =	vperm.xlane v9, v6;
	_ =	sdelay $0x1  }
0xd9: {  	v9 =	vmax.f32 v9, v10  }
0xda: {  	v10 =	vperm.xlane v9, v7;
	_ =	sdelay $0x1  }
0xdb: {  	v9 =	vmax.f32 v9, v10  }
0xdc: {  	vm0 =	veq.f32 v8, v9  }
0xdd: {  	v55 =	vnsel vm0, $0x10, v3  }
0xde: {  	v11 =	vperm.xlane v55, v4;
	_ =	sdelay $0x1  }
0xdf: {  	vm0 =	vlt.s32 v55, v11  }
0xe0: {  	v10 =	vsel vm0, v55, v11  }
0xe1: {  	v11 =	vperm.xlane v10, v5;
	_ =	sdelay $0x1  }
0xe2: {  	vm0 =	vlt.s32 v10, v11  }
0xe3: {  	v10 =	vsel vm0, v10, v11  }
0xe4: {  	v11 =	vperm.xlane v10, v6;
	_ =	sdelay $0x1  }
0xe5: {  	vm0 =	vlt.s32 v10, v11  }
0xe6: {  	v10 =	vsel vm0, v10, v11  }
0xe7: {  	v11 =	vperm.xlane v10, v7;
	_ =	sdelay $0x1  }
0xe8: {  	vm0 =	vlt.s32 v10, v11  }
0xe9: {  	v10 =	vsel vm0, v10, v11  }
0xea: {  	vm0 =	veq.s32 v10, v3  }
0xeb: {  	v8 =	vsel vm0, $0xF149F2CA, v8  }
0xec: {  	v56 =	vperm.xlane v8, v4;
	_ =	sdelay $0x1  }
0xed: {  	v10 =	vmax.f32 v8, v56  }
0xee: {  	v57 =	vperm.xlane v10, v5;
	_ =	sdelay $0x1  }
0xef: {  	v10 =	vmax.f32 v10, v57  }
0xf0: {  	v11 =	vperm.xlane v10, v6;
	_ =	sdelay $0x1  }
0xf1: {  	v10 =	vmax.f32 v10, v11  }
0xf2: {  	v11 =	vperm.xlane v10, v7;
	_ =	sdelay $0x1  }
0xf3: {  	v10 =	vmax.f32 v10, v11  }
0xf4: {  	vm1 =	veq.f32 v8, v10  }
0xf5: {  	v8 =	vnsel vm1, $0x10, v3  }
0xf6: {  	v58 =	vperm.xlane v8, v4  }
0xf7: {  	v12 =	vadd.f32 v10, v9  }
0xf8: {  	vm1 =	vlt.s32 v8, v58  }
0xf9: {  	v59 =	vadd.f32 $9.999999680e-21, v12;
	v8 =	vsel vm1, v8, v58  }
0xfa: {  	v60 =	vperm.xlane v8, v5  }
0xfb: {  	(erf) = vrcp.f32 v59  }
0xfc: {  	vm1 =	vlt.s32 v8, v60  }
0xfd: {  	v8 =	vsel vm1, v8, v60  }
0xfe: {  	v61 =	vperm.xlane v8, v6;
	_ =	sdelay $0x1  }
0xff: {  	vm1 =	vlt.s32 v8, v61  }
0x100: {  	v8 =	vsel vm1, v8, v61  }
0x101: {  	v11 =	vperm.xlane v8, v7;
	_ =	sdelay $0x1  }
0x102: {  	v62 =	vpop (erf);
	vm1 =	vlt.s32 v8, v11  }
0x103: {  	v9 =	vmul.f32 v62, v9;
	v10 =	vmul.f32 v62, v10;
	v8 =	vsel vm1, v8, v11  }
0x104: {  	vm1 =	veq.s32 v8, v3  }
0x105: {  	v8 =	vnsel vm0, $0x0, v9;
	v63 =	vnsel vm1, $0x0, v10  }
0x106: {  	s12 =	sadd.s32 $0x1, s12;
	v8 =	vadd.f32 v63, v8  }
0x107: {  	p0 =	sne.s32 s12, s6  }
.Ltmp4:
0x108: {  	[tilespmem:$0x3680] =	vst v8;
	(pc) =	sbr.rel @p0 .LBB2_1-.Ltmp4, $4  }
0x109: {  	[hbm4b:s5+s2] =	stream.linear.scatter [tilespmem:s11], [sflag:$0x1], $0x100, $0x38;
	[tilespmem:$0x3700] =	vst v63  }
0x10a: {  	_ =	swait.ge [sflag:s7], $0x100  }
0x10b: {  	[sflag:s7] =	ssyncset.done $0x0  }
0x10c: {  	[sflag:s7] =	ssyncadd.s32 $0xFFFFFF00  }
0x10d: {  	_ =	sfence.sel $0x180000  }
0x10e: {  	[bflag:$0x0] =	sbarrier.arrive $0xFFFF  }
0x10f: {  	p0 =	sne.s32 s0, $0x0;
	_ =	strace $0x90000047  }
0x110: {  	s0 =	sadd.s32 @!p0 $0x100000, s3;
	[bflag:$0x2] =	sbarrier.arrive $0xFFFF  }
0x111: {  	[sflag:s0] =	ssyncadd.tile.s32 @!p0 $0x1;
	_ =	shalt  }
.Lfunc_end2:
_tile_overlayer_lowered:
.L_overlay_start_2:
0x112: {  	(tag) =	ssettag $0x2  }
0x113: {  	s0 =	rddreg [dreg:$0x0];
	s2 =	stileid.u32  }
0x114: {  	s1 =	rddreg [dreg:$0x1];
	p0 =	sne.s32 s2, $0x0  }
0x115: {  	s3 =	rddreg [dreg:$0x2];
	[bflag:$0x3] =	sbarrier.arrive $0xFFFF;
	s2 =	simm.s32 @!p0 $0x1C01  }
0x116: {  	[timem:s3], [sflag:s2] =	dma.local @!p0 [hbm:s0], s1  }
0x117: {  	s0 =	simm.s32 @!p0 $0x1  }
0x118: {  	_ =	swait.ge @!p0 [sflag:s0], s1  }
0x119: {  	s1 =	ssub.s32 @!p0 $0x0, s1;
	[sflag:s0] =	ssyncset.done @!p0 $0x0  }
0x11a: {  	[sflag:s0] =	ssyncadd.s32 @!p0 s1  }
0x11b: {  	[bflag:$0x3] =	sbarrier.arrive $0xFFFF  }
0x11c: {  	_ =	shalt  }

</sc_bundles>
